<compile_context>
chip_gen: v7x
topology: tpu7x:2x2x1
jax: 0.10.2.dev20260603
libtpu: 0.0.44.dev20260713+nightly
codegen_flags: <defaults>
</compile_context>

<pallas_src>
import jax
import jax.numpy as jnp
from jax.experimental import pallas as pl

B = 2048
D = 1024
E = 8
K = 2
GI = D + 64 + 4

R_BLK = 256
BI = 256
BJ = 512

_INV_SQRT2 = 0.7071067811865476


def _dot_t(a, w):
    return jax.lax.dot_general(
        a, w, (((1,), (1,)), ((), ())), precision=jax.lax.Precision.DEFAULT,
        preferred_element_type=jnp.float32)


def _gelu(v):
    return 0.5 * v * (1.0 + jax.lax.erf(v * _INV_SQRT2))


def _mlp_kernel(x_ref, bw_ref, bb_ref, bg_ref, bbeta_ref, m_ref,
                rc1w_ref, rc1b_ref, rc2w_ref, rc2b_ref,
                g1w_ref, g1b_ref, g1g_ref, g1beta_ref,
                g2w_ref, g2b_ref, g2g_ref, g2beta_ref,
                g3w_ref, g3b_ref, ns1w_ref, ns1b_ref, ns2w_ref, ns2b_ref,
                exps_ref, clean_ref, ns_ref, ps_ref):
    i = pl.program_id(0)
    xb = x_ref[:, :]
    h = jnp.maximum(_dot_t(xb, bw_ref[:, :]) + bb_ref[:, :], 0.0)
    gm = jnp.dot(h, m_ref[:, :], precision=jax.lax.Precision.HIGHEST,
                 preferred_element_type=jnp.float32)
    gx2 = jnp.dot(h * h, m_ref[:, :], precision=jax.lax.Precision.HIGHEST,
                  preferred_element_type=jnp.float32)
    gv = gx2 - gm * gm
    mf = (h - gm) * jax.lax.rsqrt(gv + 1e-5) * bg_ref[:, :] + bbeta_ref[:, :]
    rc = jnp.maximum(_dot_t(mf, rc1w_ref[:, :]) + rc1b_ref[:, :], 0.0)
    rl = _dot_t(rc, rc2w_ref[:, :]) + rc2b_ref[:, :]
    rl = rl - jnp.max(rl, axis=1, keepdims=True)
    re_ = jnp.exp(rl)
    regime = re_ / jnp.sum(re_, axis=1, keepdims=True)
    gi = jnp.concatenate([xb, mf, regime], axis=1)
    h1 = _dot_t(gi, g1w_ref[:, :]) + g1b_ref[:, :]
    m1 = jnp.sum(h1, axis=1, keepdims=True) * (1.0 / (2 * GI))
    d1 = h1 - m1
    v1 = jnp.sum(d1 * d1, axis=1, keepdims=True) * (1.0 / (2 * GI))
    h1 = _gelu(d1 * jax.lax.rsqrt(v1 + 1e-5) * g1g_ref[:, :] + g1beta_ref[:, :])
    h2 = _dot_t(h1, g2w_ref[:, :]) + g2b_ref[:, :]
    m2 = jnp.sum(h2, axis=1, keepdims=True) * (1.0 / GI)
    d2 = h2 - m2
    v2 = jnp.sum(d2 * d2, axis=1, keepdims=True) * (1.0 / GI)
    h2 = _gelu(d2 * jax.lax.rsqrt(v2 + 1e-5) * g2g_ref[:, :] + g2beta_ref[:, :])
    clean = (_dot_t(h2, g3w_ref[:, :]) + g3b_ref[:, :]
             + _dot_t(regime, exps_ref[:, :]))
    nsh = jnp.maximum(_dot_t(regime, ns1w_ref[:, :]) + ns1b_ref[:, :], 0.0)
    nsb = nsh.astype(jnp.bfloat16).astype(jnp.float32)
    nwb = ns2w_ref[:, :].astype(jnp.bfloat16).astype(jnp.float32)
    nss = jax.nn.sigmoid(
        jnp.sum(nsb * nwb, axis=1, keepdims=True) + ns2b_ref[0, 0])
    clean_ref[:, :] = clean
    ns_ref[:, :] = nss
    cm = jnp.max(clean, axis=1, keepdims=True)
    ce = jnp.exp(clean - cm)
    gs = ce / jnp.sum(ce, axis=1, keepdims=True)
    psb = jnp.sum(gs, axis=0, keepdims=True)

    @pl.when(i == 0)
    def _():
        ps_ref[:, :] = psb

    @pl.when(i > 0)
    def _():
        ps_ref[:, :] = ps_ref[:, :] + psb


def _topk_kernel(ct_ref, nt_ref, ns_ref, t0_ref, t1_ref, i0_ref, i1_ref,
                 oh_ref):
    ib = pl.program_id(1)
    nsv = ns_ref[:, :]
    neg = jnp.full((BI, BJ), -jnp.inf, jnp.float32)
    m1, m2 = neg, neg
    mask = jnp.int32(~7)
    for e in range(E):
        a = ct_ref[e:e + 1, :] + nsv * nt_ref[e:e + 1, :]
        ai = jax.lax.bitcast_convert_type(
            (jax.lax.bitcast_convert_type(a, jnp.int32) & mask) | e,
            jnp.float32)
        t = jnp.minimum(m1, ai)
        m1 = jnp.maximum(m1, ai)
        m2 = jnp.maximum(m2, t)
    e1 = jax.lax.bitcast_convert_type(m1, jnp.int32) & 7
    e2 = jax.lax.bitcast_convert_type(m2, jnp.int32) & 7
    s0 = jax.nn.sigmoid(m1 - m2)
    t0_ref[:, :] = s0
    t1_ref[:, :] = 1.0 - s0
    i0_ref[:, :] = e1
    i1_ref[:, :] = e2
    msk = jnp.left_shift(jnp.int32(1), e1) | jnp.left_shift(jnp.int32(1), e2)
    r = BI
    while r > 1:
        r //= 2
        msk = msk[:r, :] | msk[r:2 * r, :]

    @pl.when(ib == 0)
    def _():
        oh_ref[:, :] = msk

    @pl.when(ib > 0)
    def _():
        oh_ref[:, :] = oh_ref[:, :] | msk


def _loss_kernel(ps_ref, oh_ref, out_ref):
    ps = ps_ref[:, :]
    ohm = oh_ref[:, :]
    acc = jnp.zeros((1, 1), jnp.float32)
    for e in range(E):
        cnt = jnp.sum(((ohm >> e) & 1).astype(jnp.float32))
        acc = acc + ps[0, e] * cnt
    load_loss = E * acc * (1.0 / (B * B))
    m = jnp.sum(ps) * (1.0 / E)
    v = jnp.sum((ps - m) ** 2) * (1.0 / (E - 1))
    out_ref[:, :] = 0.01 * load_loss + 0.01 * (v / m)


def kernel(x, params, noise_raw):
    p = params
    f32 = jnp.float32
    row = lambda a: a.reshape(1, -1).astype(f32)
    bw = jnp.concatenate([p[n + "_w"] for n in ("ve", "te", "me", "re")], 0)
    bb = jnp.concatenate([p[n + "_b"] for n in ("ve", "te", "me", "re")]).reshape(1, -1)
    bg = jnp.concatenate([p[n + "_g"] for n in ("ve", "te", "me", "re")]).reshape(1, -1)
    bbeta = jnp.concatenate([p[n + "_beta"] for n in ("ve", "te", "me", "re")]).reshape(1, -1)
    gmat = jnp.kron(jnp.eye(4, dtype=f32), jnp.full((16, 16), 1.0 / 16, f32))

    nrb = B // R_BLK
    full = lambda s: pl.BlockSpec(s, lambda i: (0, 0))
    clean, ns, ps = pl.pallas_call(
        _mlp_kernel,
        grid=(nrb,),
        in_specs=[
            pl.BlockSpec((R_BLK, D), lambda i: (i, 0)),
            full((64, D)), full((1, 64)), full((1, 64)), full((1, 64)),
            full((64, 64)),
            full((32, 64)), full((1, 32)), full((4, 32)), full((1, 4)),
            full((2 * GI, GI)), full((1, 2 * GI)), full((1, 2 * GI)),
            full((1, 2 * GI)),
            full((GI, 2 * GI)), full((1, GI)), full((1, GI)), full((1, GI)),
            full((E, GI)), full((1, E)),
            full((16, 4)), full((1, 16)), full((1, 16)), full((1, 1)),
            full((E, 4)),
        ],
        out_specs=[
            pl.BlockSpec((R_BLK, E), lambda i: (i, 0)),
            pl.BlockSpec((R_BLK, 1), lambda i: (i, 0)),
            pl.BlockSpec((1, E), lambda i: (0, 0)),
        ],
        out_shape=[
            jax.ShapeDtypeStruct((B, E), f32),
            jax.ShapeDtypeStruct((B, 1), f32),
            jax.ShapeDtypeStruct((1, E), f32),
        ],
    )(x, bw, bb, bg, bbeta, gmat,
      p["rc1_w"], row(p["rc1_b"]), p["rc2_w"], row(p["rc2_b"]),
      p["g1_w"], row(p["g1_b"]), row(p["g1_g"]), row(p["g1_beta"]),
      p["g2_w"], row(p["g2_b"]), row(p["g2_g"]), row(p["g2_beta"]),
      p["g3_w"], row(p["g3_b"]),
      p["ns1_w"], row(p["ns1_b"]), p["ns2_w"], row(p["ns2_b"]),
      p["exp_spec"])

    ct = clean.T
    nt = noise_raw.T
    t0, t1, i0, i1, oh = pl.pallas_call(
        _topk_kernel,
        grid=(B // BJ, B // BI),
        in_specs=[
            pl.BlockSpec((E, BJ), lambda j, i: (0, j)),
            pl.BlockSpec((E, BJ), lambda j, i: (0, j)),
            pl.BlockSpec((BI, 1), lambda j, i: (i, 0)),
        ],
        out_specs=[
            pl.BlockSpec((BI, BJ), lambda j, i: (i, j)),
            pl.BlockSpec((BI, BJ), lambda j, i: (i, j)),
            pl.BlockSpec((BI, BJ), lambda j, i: (i, j)),
            pl.BlockSpec((BI, BJ), lambda j, i: (i, j)),
            pl.BlockSpec((1, BJ), lambda j, i: (0, j)),
        ],
        out_shape=[
            jax.ShapeDtypeStruct((B, B), f32),
            jax.ShapeDtypeStruct((B, B), f32),
            jax.ShapeDtypeStruct((B, B), jnp.int32),
            jax.ShapeDtypeStruct((B, B), jnp.int32),
            jax.ShapeDtypeStruct((1, B), jnp.int32),
        ],
    )(ct, nt, ns)

    loss = pl.pallas_call(
        _loss_kernel,
        in_specs=[pl.BlockSpec((1, E), lambda: (0, 0)),
                  pl.BlockSpec((1, B), lambda: (0, 0))],
        out_specs=pl.BlockSpec((1, 1), lambda: (0, 0)),
        out_shape=jax.ShapeDtypeStruct((1, 1), f32),
    )(ps, oh)

    tw = jnp.stack([t0, t1], axis=-1)
    idx = jnp.stack([i0, i1], axis=-1)
    return (tw, idx, loss[0, 0])

# --- scband reference (transcript-rebuilt; emitter-appended) ---
"""Pipeline reference for scband-financial-noisy-top-kgate-15109694948211 (READ-ONLY COPY).

The authoritative reference and input builder live on the scoring server;
editing this copy changes nothing except your own understanding.
"""

import jax, jax.numpy as jnp
import numpy as np

B = 2048
D = 1024
E = 8
K = 2
GI = D + 64 + 4  # 1092

def _lin(x, w, b):
    return x @ w.T + b

def _ln(x, g, b):
    m = x.mean(-1, keepdims=True)
    v = ((x - m) ** 2).mean(-1, keepdims=True)
    return (x - m) / jnp.sqrt(v + 1e-5) * g + b

def _gelu(x):
    return 0.5 * x * (1.0 + jax.lax.erf(x / jnp.sqrt(2.0).astype(x.dtype)))

def setup_inputs(seed: int = 0) -> dict:
    key = jax.random.key(seed)
    ks = jax.random.split(key, 16)
    def W(k, o, i):
        return jax.random.normal(k, (o, i), jnp.float32) * 0.02
    p = {}
    for j, n in enumerate(["ve", "te", "me", "re"]):
        p[n + "_w"] = W(jax.random.fold_in(ks[0], j), 16, D)
        p[n + "_b"] = jnp.zeros((16,), jnp.float32)
        p[n + "_g"] = jnp.ones((16,), jnp.float32)
        p[n + "_beta"] = jnp.zeros((16,), jnp.float32)
    p["rc1_w"] = W(ks[1], 32, 64); p["rc1_b"] = jnp.zeros((32,), jnp.float32)
    p["rc2_w"] = W(ks[2], 4, 32); p["rc2_b"] = jnp.zeros((4,), jnp.float32)
    p["g1_w"] = W(ks[3], 2 * GI, GI); p["g1_b"] = jnp.zeros((2 * GI,), jnp.float32)
    p["g1_g"] = jnp.ones((2 * GI,), jnp.float32); p["g1_beta"] = jnp.zeros((2 * GI,), jnp.float32)
    p["g2_w"] = W(ks[4], GI, 2 * GI); p["g2_b"] = jnp.zeros((GI,), jnp.float32)
    p["g2_g"] = jnp.ones((GI,), jnp.float32); p["g2_beta"] = jnp.zeros((GI,), jnp.float32)
    p["g3_w"] = W(ks[5], E, GI); p["g3_b"] = jnp.zeros((E,), jnp.float32)
    p["ns1_w"] = W(ks[6], 16, 4); p["ns1_b"] = jnp.zeros((16,), jnp.float32)
    p["ns2_w"] = W(ks[7], 1, 16); p["ns2_b"] = jnp.zeros((1,), jnp.float32)
    p["exp_spec"] = jax.random.normal(ks[8], (E, 4), jnp.float32) * 0.1
    x = jax.random.normal(ks[9], (B, D), jnp.float32)
    noise_raw = jax.random.normal(ks[10], (B, E), jnp.float32)
    return {"x": x, "params": p, "noise_raw": noise_raw}

def reference(x, params, noise_raw):
    p = params
    # MarketConditionEncoder (eval mode: dropout = identity)
    def branch(pref):
        h = jax.nn.relu(_lin(x, p[pref + "_w"], p[pref + "_b"]))
        return _ln(h, p[pref + "_g"], p[pref + "_beta"])
    mf = jnp.concatenate([branch("ve"), branch("te"), branch("me"), branch("re")], axis=1)
    rc = jax.nn.relu(_lin(mf, p["rc1_w"], p["rc1_b"]))
    regime_probs = jax.nn.softmax(_lin(rc, p["rc2_w"], p["rc2_b"]), axis=1)
    gi = jnp.concatenate([x, mf, regime_probs], axis=1)
    h = _gelu(_ln(_lin(gi, p["g1_w"], p["g1_b"]), p["g1_g"], p["g1_beta"]))
    h = _gelu(_ln(_lin(h, p["g2_w"], p["g2_b"]), p["g2_g"], p["g2_beta"]))
    clean = _lin(h, p["g3_w"], p["g3_b"])
    clean = clean + regime_probs @ p["exp_spec"].T
    ns = jax.nn.sigmoid(_lin(jax.nn.relu(_lin(regime_probs, p["ns1_w"], p["ns1_b"])), p["ns2_w"], p["ns2_b"])) * 1.0  # [B,1]
    # Faithful to torch: noise_scale.unsqueeze(1) -> [B,1,1]; broadcasts with [B,E] -> [B,B,E]
    noise = noise_raw * ns[:, None, :]
    noisy = clean + noise  # [B,B,E]
    vals, idx = jax.lax.top_k(noisy, K)  # [B,B,K]
    tw = jax.nn.softmax(vals, axis=-1)
    gs = jax.nn.softmax(clean, axis=-1)
    prob_expert = gs.mean(0)
    bi = jnp.broadcast_to(jnp.arange(B)[:, None], (B, K))
    bi3 = jnp.broadcast_to(bi[None, :, :], (B, B, K))
    one_hot = jnp.zeros((B, E), jnp.float32).at[bi3, idx].set(1.0)
    load_expert = one_hot.mean(0)
    load_loss = E * jnp.sum(prob_expert * load_expert)
    importance = gs.sum(0)
    importance_loss = jnp.var(importance, ddof=1) / jnp.mean(importance)
    loss_aux = 0.01 * load_loss + 0.01 * importance_loss
    return (tw, idx, loss_aux)

if __name__ == "__main__":
    import jax
    _d = setup_inputs()
    print(jax.jit(kernel)(*tuple(_d.values())))

</pallas_src>

<mosaic_0001>
module attributes {stable_mosaic.version = 14 : i64} {
  func.func @_topk_kernel(%arg0: i32, %arg1: i32, %arg2: memref<8x512xf32, #tpu.memory_space<vmem>>, %arg3: memref<8x512xf32, #tpu.memory_space<vmem>>, %arg4: memref<256x1xf32, #tpu.memory_space<vmem>>, %arg5: memref<256x512xf32, #tpu.memory_space<vmem>>, %arg6: memref<256x512xf32, #tpu.memory_space<vmem>>, %arg7: memref<256x512xi32, #tpu.memory_space<vmem>>, %arg8: memref<256x512xi32, #tpu.memory_space<vmem>>, %arg9: memref<1x512xi32, #tpu.memory_space<vmem>>) attributes {dimension_semantics = [#tpu.dimension_semantics<arbitrary>, #tpu.dimension_semantics<arbitrary>], iteration_bounds = array<i64: 4, 8>, scalar_prefetch = 0 : i64, scratch_operands = 0 : i64, tpu.core_type = #tpu.core_type<tc>, window_params = [{transform_indices = @transform_0, window_bounds = array<i64: 8, 512>}, {transform_indices = @transform_1, window_bounds = array<i64: 8, 512>}, {transform_indices = @transform_2, window_bounds = array<i64: 256, 1>}, {transform_indices = @transform_3, window_bounds = array<i64: 256, 512>}, {transform_indices = @transform_4, window_bounds = array<i64: 256, 512>}, {transform_indices = @transform_5, window_bounds = array<i64: 256, 512>}, {transform_indices = @transform_6, window_bounds = array<i64: 256, 512>}, {transform_indices = @transform_7, window_bounds = array<i64: 1, 512>}]} {
    %get3A = arith.constant 0 : index
    %get3A_0 = arith.constant 0 : index
    %get3A_1 = vector.load %arg4[%get3A, %get3A_0] : memref<256x1xf32, #tpu.memory_space<vmem>>, vector<256x1xf32>
    %broadcast_in_dim3A = arith.constant 0xFF800000 : f32
    %broadcast_in_dim3A_2 = vector.broadcast %broadcast_in_dim3A : f32 to vector<256x512xf32>
    %get3A_3 = arith.constant 0 : index
    %get3A_4 = arith.constant 0 : index
    %get3A_5 = vector.load %arg2[%get3A_3, %get3A_4] : memref<8x512xf32, #tpu.memory_space<vmem>>, vector<1x512xf32>
    %get3A_6 = arith.constant 0 : index
    %get3A_7 = arith.constant 0 : index
    %get3A_8 = vector.load %arg3[%get3A_6, %get3A_7] : memref<8x512xf32, #tpu.memory_space<vmem>>, vector<1x512xf32>
    %mul3A = vector.broadcast %get3A_1 : vector<256x1xf32> to vector<256x512xf32>
    %mul3A_9 = vector.broadcast %get3A_8 : vector<1x512xf32> to vector<256x512xf32>
    %mul3A_10 = arith.mulf %mul3A, %mul3A_9 : vector<256x512xf32>
    %add3A = vector.broadcast %get3A_5 : vector<1x512xf32> to vector<256x512xf32>
    %add3A_11 = arith.addf %add3A, %mul3A_10 : vector<256x512xf32>
    %bitcast_convert_type3A = tpu.bitcast %add3A_11 : vector<256x512xf32> -> vector<256x512xi32>
    %and3A = arith.constant -8 : i32
    %and3A_12 = vector.broadcast %and3A : i32 to vector<256x512xi32>
    %and3A_13 = arith.andi %bitcast_convert_type3A, %and3A_12 : vector<256x512xi32>
    %or3A = arith.constant 0 : i32
    %or3A_14 = vector.broadcast %or3A : i32 to vector<256x512xi32>
    %or3A_15 = arith.ori %and3A_13, %or3A_14 : vector<256x512xi32>
    %bitcast_convert_type3A_16 = tpu.bitcast %or3A_15 : vector<256x512xi32> -> vector<256x512xf32>
    %min3A = arith.minimumf %broadcast_in_dim3A_2, %bitcast_convert_type3A_16 : vector<256x512xf32>
    %max3A = arith.maximumf %broadcast_in_dim3A_2, %bitcast_convert_type3A_16 : vector<256x512xf32>
    %max3A_17 = arith.maximumf %broadcast_in_dim3A_2, %min3A : vector<256x512xf32>
    %get3A_18 = arith.constant 1 : index
    %get3A_19 = arith.constant 0 : index
    %get3A_20 = vector.load %arg2[%get3A_18, %get3A_19] : memref<8x512xf32, #tpu.memory_space<vmem>>, vector<1x512xf32>
    %get3A_21 = arith.constant 1 : index
    %get3A_22 = arith.constant 0 : index
    %get3A_23 = vector.load %arg3[%get3A_21, %get3A_22] : memref<8x512xf32, #tpu.memory_space<vmem>>, vector<1x512xf32>
    %mul3A_24 = vector.broadcast %get3A_1 : vector<256x1xf32> to vector<256x512xf32>
    %mul3A_25 = vector.broadcast %get3A_23 : vector<1x512xf32> to vector<256x512xf32>
    %mul3A_26 = arith.mulf %mul3A_24, %mul3A_25 : vector<256x512xf32>
    %add3A_27 = vector.broadcast %get3A_20 : vector<1x512xf32> to vector<256x512xf32>
    %add3A_28 = arith.addf %add3A_27, %mul3A_26 : vector<256x512xf32>
    %bitcast_convert_type3A_29 = tpu.bitcast %add3A_28 : vector<256x512xf32> -> vector<256x512xi32>
    %and3A_30 = arith.constant -8 : i32
    %and3A_31 = vector.broadcast %and3A_30 : i32 to vector<256x512xi32>
    %and3A_32 = arith.andi %bitcast_convert_type3A_29, %and3A_31 : vector<256x512xi32>
    %or3A_33 = arith.constant 1 : i32
    %or3A_34 = vector.broadcast %or3A_33 : i32 to vector<256x512xi32>
    %or3A_35 = arith.ori %and3A_32, %or3A_34 : vector<256x512xi32>
    %bitcast_convert_type3A_36 = tpu.bitcast %or3A_35 : vector<256x512xi32> -> vector<256x512xf32>
    %min3A_37 = arith.minimumf %max3A, %bitcast_convert_type3A_36 : vector<256x512xf32>
    %max3A_38 = arith.maximumf %max3A, %bitcast_convert_type3A_36 : vector<256x512xf32>
    %max3A_39 = arith.maximumf %max3A_17, %min3A_37 : vector<256x512xf32>
    %get3A_40 = arith.constant 2 : index
    %get3A_41 = arith.constant 0 : index
    %get3A_42 = vector.load %arg2[%get3A_40, %get3A_41] : memref<8x512xf32, #tpu.memory_space<vmem>>, vector<1x512xf32>
    %get3A_43 = arith.constant 2 : index
    %get3A_44 = arith.constant 0 : index
    %get3A_45 = vector.load %arg3[%get3A_43, %get3A_44] : memref<8x512xf32, #tpu.memory_space<vmem>>, vector<1x512xf32>
    %mul3A_46 = vector.broadcast %get3A_1 : vector<256x1xf32> to vector<256x512xf32>
    %mul3A_47 = vector.broadcast %get3A_45 : vector<1x512xf32> to vector<256x512xf32>
    %mul3A_48 = arith.mulf %mul3A_46, %mul3A_47 : vector<256x512xf32>
    %add3A_49 = vector.broadcast %get3A_42 : vector<1x512xf32> to vector<256x512xf32>
    %add3A_50 = arith.addf %add3A_49, %mul3A_48 : vector<256x512xf32>
    %bitcast_convert_type3A_51 = tpu.bitcast %add3A_50 : vector<256x512xf32> -> vector<256x512xi32>
    %and3A_52 = arith.constant -8 : i32
    %and3A_53 = vector.broadcast %and3A_52 : i32 to vector<256x512xi32>
    %and3A_54 = arith.andi %bitcast_convert_type3A_51, %and3A_53 : vector<256x512xi32>
    %or3A_55 = arith.constant 2 : i32
    %or3A_56 = vector.broadcast %or3A_55 : i32 to vector<256x512xi32>
    %or3A_57 = arith.ori %and3A_54, %or3A_56 : vector<256x512xi32>
    %bitcast_convert_type3A_58 = tpu.bitcast %or3A_57 : vector<256x512xi32> -> vector<256x512xf32>
    %min3A_59 = arith.minimumf %max3A_38, %bitcast_convert_type3A_58 : vector<256x512xf32>
    %max3A_60 = arith.maximumf %max3A_38, %bitcast_convert_type3A_58 : vector<256x512xf32>
    %max3A_61 = arith.maximumf %max3A_39, %min3A_59 : vector<256x512xf32>
    %get3A_62 = arith.constant 3 : index
    %get3A_63 = arith.constant 0 : index
    %get3A_64 = vector.load %arg2[%get3A_62, %get3A_63] : memref<8x512xf32, #tpu.memory_space<vmem>>, vector<1x512xf32>
    %get3A_65 = arith.constant 3 : index
    %get3A_66 = arith.constant 0 : index
    %get3A_67 = vector.load %arg3[%get3A_65, %get3A_66] : memref<8x512xf32, #tpu.memory_space<vmem>>, vector<1x512xf32>
    %mul3A_68 = vector.broadcast %get3A_1 : vector<256x1xf32> to vector<256x512xf32>
    %mul3A_69 = vector.broadcast %get3A_67 : vector<1x512xf32> to vector<256x512xf32>
    %mul3A_70 = arith.mulf %mul3A_68, %mul3A_69 : vector<256x512xf32>
    %add3A_71 = vector.broadcast %get3A_64 : vector<1x512xf32> to vector<256x512xf32>
    %add3A_72 = arith.addf %add3A_71, %mul3A_70 : vector<256x512xf32>
    %bitcast_convert_type3A_73 = tpu.bitcast %add3A_72 : vector<256x512xf32> -> vector<256x512xi32>
    %and3A_74 = arith.constant -8 : i32
    %and3A_75 = vector.broadcast %and3A_74 : i32 to vector<256x512xi32>
    %and3A_76 = arith.andi %bitcast_convert_type3A_73, %and3A_75 : vector<256x512xi32>
    %or3A_77 = arith.constant 3 : i32
    %or3A_78 = vector.broadcast %or3A_77 : i32 to vector<256x512xi32>
    %or3A_79 = arith.ori %and3A_76, %or3A_78 : vector<256x512xi32>
    %bitcast_convert_type3A_80 = tpu.bitcast %or3A_79 : vector<256x512xi32> -> vector<256x512xf32>
    %min3A_81 = arith.minimumf %max3A_60, %bitcast_convert_type3A_80 : vector<256x512xf32>
    %max3A_82 = arith.maximumf %max3A_60, %bitcast_convert_type3A_80 : vector<256x512xf32>
    %max3A_83 = arith.maximumf %max3A_61, %min3A_81 : vector<256x512xf32>
    %get3A_84 = arith.constant 4 : index
    %get3A_85 = arith.constant 0 : index
    %get3A_86 = vector.load %arg2[%get3A_84, %get3A_85] : memref<8x512xf32, #tpu.memory_space<vmem>>, vector<1x512xf32>
    %get3A_87 = arith.constant 4 : index
    %get3A_88 = arith.constant 0 : index
    %get3A_89 = vector.load %arg3[%get3A_87, %get3A_88] : memref<8x512xf32, #tpu.memory_space<vmem>>, vector<1x512xf32>
    %mul3A_90 = vector.broadcast %get3A_1 : vector<256x1xf32> to vector<256x512xf32>
    %mul3A_91 = vector.broadcast %get3A_89 : vector<1x512xf32> to vector<256x512xf32>
    %mul3A_92 = arith.mulf %mul3A_90, %mul3A_91 : vector<256x512xf32>
    %add3A_93 = vector.broadcast %get3A_86 : vector<1x512xf32> to vector<256x512xf32>
    %add3A_94 = arith.addf %add3A_93, %mul3A_92 : vector<256x512xf32>
    %bitcast_convert_type3A_95 = tpu.bitcast %add3A_94 : vector<256x512xf32> -> vector<256x512xi32>
    %and3A_96 = arith.constant -8 : i32
    %and3A_97 = vector.broadcast %and3A_96 : i32 to vector<256x512xi32>
    %and3A_98 = arith.andi %bitcast_convert_type3A_95, %and3A_97 : vector<256x512xi32>
    %or3A_99 = arith.constant 4 : i32
    %or3A_100 = vector.broadcast %or3A_99 : i32 to vector<256x512xi32>
    %or3A_101 = arith.ori %and3A_98, %or3A_100 : vector<256x512xi32>
    %bitcast_convert_type3A_102 = tpu.bitcast %or3A_101 : vector<256x512xi32> -> vector<256x512xf32>
    %min3A_103 = arith.minimumf %max3A_82, %bitcast_convert_type3A_102 : vector<256x512xf32>
    %max3A_104 = arith.maximumf %max3A_82, %bitcast_convert_type3A_102 : vector<256x512xf32>
    %max3A_105 = arith.maximumf %max3A_83, %min3A_103 : vector<256x512xf32>
    %get3A_106 = arith.constant 5 : index
    %get3A_107 = arith.constant 0 : index
    %get3A_108 = vector.load %arg2[%get3A_106, %get3A_107] : memref<8x512xf32, #tpu.memory_space<vmem>>, vector<1x512xf32>
    %get3A_109 = arith.constant 5 : index
    %get3A_110 = arith.constant 0 : index
    %get3A_111 = vector.load %arg3[%get3A_109, %get3A_110] : memref<8x512xf32, #tpu.memory_space<vmem>>, vector<1x512xf32>
    %mul3A_112 = vector.broadcast %get3A_1 : vector<256x1xf32> to vector<256x512xf32>
    %mul3A_113 = vector.broadcast %get3A_111 : vector<1x512xf32> to vector<256x512xf32>
    %mul3A_114 = arith.mulf %mul3A_112, %mul3A_113 : vector<256x512xf32>
    %add3A_115 = vector.broadcast %get3A_108 : vector<1x512xf32> to vector<256x512xf32>
    %add3A_116 = arith.addf %add3A_115, %mul3A_114 : vector<256x512xf32>
    %bitcast_convert_type3A_117 = tpu.bitcast %add3A_116 : vector<256x512xf32> -> vector<256x512xi32>
    %and3A_118 = arith.constant -8 : i32
    %and3A_119 = vector.broadcast %and3A_118 : i32 to vector<256x512xi32>
    %and3A_120 = arith.andi %bitcast_convert_type3A_117, %and3A_119 : vector<256x512xi32>
    %or3A_121 = arith.constant 5 : i32
    %or3A_122 = vector.broadcast %or3A_121 : i32 to vector<256x512xi32>
    %or3A_123 = arith.ori %and3A_120, %or3A_122 : vector<256x512xi32>
    %bitcast_convert_type3A_124 = tpu.bitcast %or3A_123 : vector<256x512xi32> -> vector<256x512xf32>
    %min3A_125 = arith.minimumf %max3A_104, %bitcast_convert_type3A_124 : vector<256x512xf32>
    %max3A_126 = arith.maximumf %max3A_104, %bitcast_convert_type3A_124 : vector<256x512xf32>
    %max3A_127 = arith.maximumf %max3A_105, %min3A_125 : vector<256x512xf32>
    %get3A_128 = arith.constant 6 : index
    %get3A_129 = arith.constant 0 : index
    %get3A_130 = vector.load %arg2[%get3A_128, %get3A_129] : memref<8x512xf32, #tpu.memory_space<vmem>>, vector<1x512xf32>
    %get3A_131 = arith.constant 6 : index
    %get3A_132 = arith.constant 0 : index
    %get3A_133 = vector.load %arg3[%get3A_131, %get3A_132] : memref<8x512xf32, #tpu.memory_space<vmem>>, vector<1x512xf32>
    %mul3A_134 = vector.broadcast %get3A_1 : vector<256x1xf32> to vector<256x512xf32>
    %mul3A_135 = vector.broadcast %get3A_133 : vector<1x512xf32> to vector<256x512xf32>
    %mul3A_136 = arith.mulf %mul3A_134, %mul3A_135 : vector<256x512xf32>
    %add3A_137 = vector.broadcast %get3A_130 : vector<1x512xf32> to vector<256x512xf32>
    %add3A_138 = arith.addf %add3A_137, %mul3A_136 : vector<256x512xf32>
    %bitcast_convert_type3A_139 = tpu.bitcast %add3A_138 : vector<256x512xf32> -> vector<256x512xi32>
    %and3A_140 = arith.constant -8 : i32
    %and3A_141 = vector.broadcast %and3A_140 : i32 to vector<256x512xi32>
    %and3A_142 = arith.andi %bitcast_convert_type3A_139, %and3A_141 : vector<256x512xi32>
    %or3A_143 = arith.constant 6 : i32
    %or3A_144 = vector.broadcast %or3A_143 : i32 to vector<256x512xi32>
    %or3A_145 = arith.ori %and3A_142, %or3A_144 : vector<256x512xi32>
    %bitcast_convert_type3A_146 = tpu.bitcast %or3A_145 : vector<256x512xi32> -> vector<256x512xf32>
    %min3A_147 = arith.minimumf %max3A_126, %bitcast_convert_type3A_146 : vector<256x512xf32>
    %max3A_148 = arith.maximumf %max3A_126, %bitcast_convert_type3A_146 : vector<256x512xf32>
    %max3A_149 = arith.maximumf %max3A_127, %min3A_147 : vector<256x512xf32>
    %get3A_150 = arith.constant 7 : index
    %get3A_151 = arith.constant 0 : index
    %get3A_152 = vector.load %arg2[%get3A_150, %get3A_151] : memref<8x512xf32, #tpu.memory_space<vmem>>, vector<1x512xf32>
    %get3A_153 = arith.constant 7 : index
    %get3A_154 = arith.constant 0 : index
    %get3A_155 = vector.load %arg3[%get3A_153, %get3A_154] : memref<8x512xf32, #tpu.memory_space<vmem>>, vector<1x512xf32>
    %mul3A_156 = vector.broadcast %get3A_1 : vector<256x1xf32> to vector<256x512xf32>
    %mul3A_157 = vector.broadcast %get3A_155 : vector<1x512xf32> to vector<256x512xf32>
    %mul3A_158 = arith.mulf %mul3A_156, %mul3A_157 : vector<256x512xf32>
    %add3A_159 = vector.broadcast %get3A_152 : vector<1x512xf32> to vector<256x512xf32>
    %add3A_160 = arith.addf %add3A_159, %mul3A_158 : vector<256x512xf32>
    %bitcast_convert_type3A_161 = tpu.bitcast %add3A_160 : vector<256x512xf32> -> vector<256x512xi32>
    %and3A_162 = arith.constant -8 : i32
    %and3A_163 = vector.broadcast %and3A_162 : i32 to vector<256x512xi32>
    %and3A_164 = arith.andi %bitcast_convert_type3A_161, %and3A_163 : vector<256x512xi32>
    %or3A_165 = arith.constant 7 : i32
    %or3A_166 = vector.broadcast %or3A_165 : i32 to vector<256x512xi32>
    %or3A_167 = arith.ori %and3A_164, %or3A_166 : vector<256x512xi32>
    %bitcast_convert_type3A_168 = tpu.bitcast %or3A_167 : vector<256x512xi32> -> vector<256x512xf32>
    %min3A_169 = arith.minimumf %max3A_148, %bitcast_convert_type3A_168 : vector<256x512xf32>
    %max3A_170 = arith.maximumf %max3A_148, %bitcast_convert_type3A_168 : vector<256x512xf32>
    %max3A_171 = arith.maximumf %max3A_149, %min3A_169 : vector<256x512xf32>
    %bitcast_convert_type3A_172 = tpu.bitcast %max3A_170 : vector<256x512xf32> -> vector<256x512xi32>
    %and3A_173 = arith.constant 7 : i32
    %and3A_174 = vector.broadcast %and3A_173 : i32 to vector<256x512xi32>
    %and3A_175 = arith.andi %bitcast_convert_type3A_172, %and3A_174 : vector<256x512xi32>
    %bitcast_convert_type3A_176 = tpu.bitcast %max3A_171 : vector<256x512xf32> -> vector<256x512xi32>
    %and3A_177 = arith.constant 7 : i32
    %and3A_178 = vector.broadcast %and3A_177 : i32 to vector<256x512xi32>
    %and3A_179 = arith.andi %bitcast_convert_type3A_176, %and3A_178 : vector<256x512xi32>
    %sub3A = arith.subf %max3A_170, %max3A_171 : vector<256x512xf32>
    %logistic3A = arith.negf %sub3A : vector<256x512xf32>
    %logistic3A_180 = math.exp %logistic3A : vector<256x512xf32>
    %logistic3A_181 = arith.constant 1.000000e+00 : f32
    %logistic3A_182 = vector.broadcast %logistic3A_181 : f32 to vector<256x512xf32>
    %logistic3A_183 = arith.addf %logistic3A_182, %logistic3A_180 : vector<256x512xf32>
    %logistic3A_184 = arith.divf %logistic3A_182, %logistic3A_183 : vector<256x512xf32>
    %swap3A = arith.constant 0 : index
    %swap3A_185 = arith.constant 0 : index
    %swap3A_186 = vector.load %arg5[%swap3A, %swap3A_185] : memref<256x512xf32, #tpu.memory_space<vmem>>, vector<256x512xf32>
    tpu.vector_store %arg5[%swap3A, %swap3A_185], %logistic3A_184 {strides = array<i32>} : memref<256x512xf32, #tpu.memory_space<vmem>>, vector<256x512xf32>,
    %sub3A_187 = arith.constant 1.000000e+00 : f32
    %sub3A_188 = vector.broadcast %sub3A_187 : f32 to vector<256x512xf32>
    %sub3A_189 = arith.subf %sub3A_188, %logistic3A_184 : vector<256x512xf32>
    %swap3A_190 = arith.constant 0 : index
    %swap3A_191 = arith.constant 0 : index
    %swap3A_192 = vector.load %arg6[%swap3A_190, %swap3A_191] : memref<256x512xf32, #tpu.memory_space<vmem>>, vector<256x512xf32>
    tpu.vector_store %arg6[%swap3A_190, %swap3A_191], %sub3A_189 {strides = array<i32>} : memref<256x512xf32, #tpu.memory_space<vmem>>, vector<256x512xf32>,
    %swap3A_193 = arith.constant 0 : index
    %swap3A_194 = arith.constant 0 : index
    %swap3A_195 = vector.load %arg7[%swap3A_193, %swap3A_194] : memref<256x512xi32, #tpu.memory_space<vmem>>, vector<256x512xi32>
    tpu.vector_store %arg7[%swap3A_193, %swap3A_194], %and3A_175 {strides = array<i32>} : memref<256x512xi32, #tpu.memory_space<vmem>>, vector<256x512xi32>,
    %swap3A_196 = arith.constant 0 : index
    %swap3A_197 = arith.constant 0 : index
    %swap3A_198 = vector.load %arg8[%swap3A_196, %swap3A_197] : memref<256x512xi32, #tpu.memory_space<vmem>>, vector<256x512xi32>
    tpu.vector_store %arg8[%swap3A_196, %swap3A_197], %and3A_179 {strides = array<i32>} : memref<256x512xi32, #tpu.memory_space<vmem>>, vector<256x512xi32>,
    %shift_left3A = arith.constant 1 : i32
    %shift_left3A_199 = vector.broadcast %shift_left3A : i32 to vector<256x512xi32>
    %shift_left3A_200 = arith.shli %shift_left3A_199, %and3A_175 : vector<256x512xi32>
    %shift_left3A_201 = arith.constant 1 : i32
    %shift_left3A_202 = vector.broadcast %shift_left3A_201 : i32 to vector<256x512xi32>
    %shift_left3A_203 = arith.shli %shift_left3A_202, %and3A_179 : vector<256x512xi32>
    %or3A_204 = arith.ori %shift_left3A_200, %shift_left3A_203 : vector<256x512xi32>
    %slice3A = vector.extract_strided_slice %or3A_204 {offsets = [0, 0], sizes = [128, 512], strides = [1, 1]} : vector<256x512xi32> to vector<128x512xi32>
    %slice3A_205 = vector.extract_strided_slice %or3A_204 {offsets = [128, 0], sizes = [128, 512], strides = [1, 1]} : vector<256x512xi32> to vector<128x512xi32>
    %or3A_206 = arith.ori %slice3A, %slice3A_205 : vector<128x512xi32>
    %slice3A_207 = vector.extract_strided_slice %or3A_206 {offsets = [0, 0], sizes = [64, 512], strides = [1, 1]} : vector<128x512xi32> to vector<64x512xi32>
    %slice3A_208 = vector.extract_strided_slice %or3A_206 {offsets = [64, 0], sizes = [64, 512], strides = [1, 1]} : vector<128x512xi32> to vector<64x512xi32>
    %or3A_209 = arith.ori %slice3A_207, %slice3A_208 : vector<64x512xi32>
    %slice3A_210 = vector.extract_strided_slice %or3A_209 {offsets = [0, 0], sizes = [32, 512], strides = [1, 1]} : vector<64x512xi32> to vector<32x512xi32>
    %slice3A_211 = vector.extract_strided_slice %or3A_209 {offsets = [32, 0], sizes = [32, 512], strides = [1, 1]} : vector<64x512xi32> to vector<32x512xi32>
    %or3A_212 = arith.ori %slice3A_210, %slice3A_211 : vector<32x512xi32>
    %slice3A_213 = vector.extract_strided_slice %or3A_212 {offsets = [0, 0], sizes = [16, 512], strides = [1, 1]} : vector<32x512xi32> to vector<16x512xi32>
    %slice3A_214 = vector.extract_strided_slice %or3A_212 {offsets = [16, 0], sizes = [16, 512], strides = [1, 1]} : vector<32x512xi32> to vector<16x512xi32>
    %or3A_215 = arith.ori %slice3A_213, %slice3A_214 : vector<16x512xi32>
    %slice3A_216 = vector.extract_strided_slice %or3A_215 {offsets = [0, 0], sizes = [8, 512], strides = [1, 1]} : vector<16x512xi32> to vector<8x512xi32>
    %slice3A_217 = vector.extract_strided_slice %or3A_215 {offsets = [8, 0], sizes = [8, 512], strides = [1, 1]} : vector<16x512xi32> to vector<8x512xi32>
    %or3A_218 = arith.ori %slice3A_216, %slice3A_217 : vector<8x512xi32>
    %slice3A_219 = vector.extract_strided_slice %or3A_218 {offsets = [0, 0], sizes = [4, 512], strides = [1, 1]} : vector<8x512xi32> to vector<4x512xi32>
    %slice3A_220 = vector.extract_strided_slice %or3A_218 {offsets = [4, 0], sizes = [4, 512], strides = [1, 1]} : vector<8x512xi32> to vector<4x512xi32>
    %or3A_221 = arith.ori %slice3A_219, %slice3A_220 : vector<4x512xi32>
    %slice3A_222 = vector.extract_strided_slice %or3A_221 {offsets = [0, 0], sizes = [2, 512], strides = [1, 1]} : vector<4x512xi32> to vector<2x512xi32>
    %slice3A_223 = vector.extract_strided_slice %or3A_221 {offsets = [2, 0], sizes = [2, 512], strides = [1, 1]} : vector<4x512xi32> to vector<2x512xi32>
    %or3A_224 = arith.ori %slice3A_222, %slice3A_223 : vector<2x512xi32>
    %slice3A_225 = vector.extract_strided_slice %or3A_224 {offsets = [0, 0], sizes = [1, 512], strides = [1, 1]} : vector<2x512xi32> to vector<1x512xi32>
    %slice3A_226 = vector.extract_strided_slice %or3A_224 {offsets = [1, 0], sizes = [1, 512], strides = [1, 1]} : vector<2x512xi32> to vector<1x512xi32>
    %or3A_227 = arith.ori %slice3A_225, %slice3A_226 : vector<1x512xi32>
    %eq3A = arith.constant 0 : i32
    %eq3A_228 = arith.cmpi eq, %arg1, %eq3A : i32
    %convert_element_type3A = arith.extui %eq3A_228 : i1 to i32
    %cond3A = arith.constant 0 : i32
    %cond3A_229 = arith.cmpi ne, %convert_element_type3A, %cond3A : i32
    scf.if %cond3A_229 {
      %swap3A_234 = arith.constant 0 : index
      %swap3A_235 = arith.constant 0 : index
      %swap3A_236 = vector.load %arg9[%swap3A_234, %swap3A_235] : memref<1x512xi32, #tpu.memory_space<vmem>>, vector<1x512xi32>
      tpu.vector_store %arg9[%swap3A_234, %swap3A_235], %or3A_227 {strides = array<i32>} : memref<1x512xi32, #tpu.memory_space<vmem>>, vector<1x512xi32>,
    } else {
    }
    %gt3A = arith.constant 0 : i32
    %gt3A_230 = arith.cmpi sgt, %arg1, %gt3A : i32
    %convert_element_type3A_231 = arith.extui %gt3A_230 : i1 to i32
    %cond3A_232 = arith.constant 0 : i32
    %cond3A_233 = arith.cmpi ne, %convert_element_type3A_231, %cond3A_232 : i32
    scf.if %cond3A_233 {
      %get3A_234 = arith.constant 0 : index
      %get3A_235 = arith.constant 0 : index
      %get3A_236 = vector.load %arg9[%get3A_234, %get3A_235] : memref<1x512xi32, #tpu.memory_space<vmem>>, vector<1x512xi32>
      %or3A_237 = arith.ori %get3A_236, %or3A_227 : vector<1x512xi32>
      %swap3A_238 = arith.constant 0 : index
      %swap3A_239 = arith.constant 0 : index
      %swap3A_240 = vector.load %arg9[%swap3A_238, %swap3A_239] : memref<1x512xi32, #tpu.memory_space<vmem>>, vector<1x512xi32>
      tpu.vector_store %arg9[%swap3A_238, %swap3A_239], %or3A_237 {strides = array<i32>} : memref<1x512xi32, #tpu.memory_space<vmem>>, vector<1x512xi32>,
    } else {
    }
    return
  }
  func.func @transform_0(%arg0: i32, %arg1: i32) -> (i32, i32) {
    %c0_i32 = arith.constant 0 : i32
    %c0_i32_0 = arith.constant 0 : i32
    return %c0_i32, %arg0 : i32, i32
  }
  func.func @transform_1(%arg0: i32, %arg1: i32) -> (i32, i32) {
    %c0_i32 = arith.constant 0 : i32
    %c0_i32_0 = arith.constant 0 : i32
    return %c0_i32, %arg0 : i32, i32
  }
  func.func @transform_2(%arg0: i32, %arg1: i32) -> (i32, i32) {
    %c0_i32 = arith.constant 0 : i32
    %c0_i32_0 = arith.constant 0 : i32
    return %arg1, %c0_i32 : i32, i32
  }
  func.func @transform_3(%arg0: i32, %arg1: i32) -> (i32, i32) {
    %c0_i32 = arith.constant 0 : i32
    return %arg1, %arg0 : i32, i32
  }
  func.func @transform_4(%arg0: i32, %arg1: i32) -> (i32, i32) {
    %c0_i32 = arith.constant 0 : i32
    return %arg1, %arg0 : i32, i32
  }
  func.func @transform_5(%arg0: i32, %arg1: i32) -> (i32, i32) {
    %c0_i32 = arith.constant 0 : i32
    return %arg1, %arg0 : i32, i32
  }
  func.func @transform_6(%arg0: i32, %arg1: i32) -> (i32, i32) {
    %c0_i32 = arith.constant 0 : i32
    return %arg1, %arg0 : i32, i32
  }
  func.func @transform_7(%arg0: i32, %arg1: i32) -> (i32, i32) {
    %c0_i32 = arith.constant 0 : i32
    %c0_i32_0 = arith.constant 0 : i32
    return %c0_i32, %arg0 : i32, i32
  }
}

module attributes {stable_mosaic.version = 14 : i64} {
  func.func @_mlp_kernel(%arg0: i32, %arg1: memref<256x1024xf32, #tpu.memory_space<vmem>>, %arg2: memref<64x1024xf32, #tpu.memory_space<vmem>>, %arg3: memref<1x64xf32, #tpu.memory_space<vmem>>, %arg4: memref<1x64xf32, #tpu.memory_space<vmem>>, %arg5: memref<1x64xf32, #tpu.memory_space<vmem>>, %arg6: memref<64x64xf32, #tpu.memory_space<vmem>>, %arg7: memref<32x64xf32, #tpu.memory_space<vmem>>, %arg8: memref<1x32xf32, #tpu.memory_space<vmem>>, %arg9: memref<4x32xf32, #tpu.memory_space<vmem>>, %arg10: memref<1x4xf32, #tpu.memory_space<vmem>>, %arg11: memref<2184x1092xf32, #tpu.memory_space<vmem>>, %arg12: memref<1x2184xf32, #tpu.memory_space<vmem>>, %arg13: memref<1x2184xf32, #tpu.memory_space<vmem>>, %arg14: memref<1x2184xf32, #tpu.memory_space<vmem>>, %arg15: memref<1092x2184xf32, #tpu.memory_space<vmem>>, %arg16: memref<1x1092xf32, #tpu.memory_space<vmem>>, %arg17: memref<1x1092xf32, #tpu.memory_space<vmem>>, %arg18: memref<1x1092xf32, #tpu.memory_space<vmem>>, %arg19: memref<8x1092xf32, #tpu.memory_space<vmem>>, %arg20: memref<1x8xf32, #tpu.memory_space<vmem>>, %arg21: memref<16x4xf32, #tpu.memory_space<vmem>>, %arg22: memref<1x16xf32, #tpu.memory_space<vmem>>, %arg23: memref<1x16xf32, #tpu.memory_space<vmem>>, %arg24: memref<1x1xf32, #tpu.memory_space<vmem>>, %arg25: memref<8x4xf32, #tpu.memory_space<vmem>>, %arg26: memref<256x8xf32, #tpu.memory_space<vmem>>, %arg27: memref<256x1xf32, #tpu.memory_space<vmem>>, %arg28: memref<1x8xf32, #tpu.memory_space<vmem>>) attributes {dimension_semantics = [#tpu.dimension_semantics<arbitrary>], iteration_bounds = array<i64: 8>, scalar_prefetch = 0 : i64, scratch_operands = 0 : i64, tpu.core_type = #tpu.core_type<tc>, window_params = [{transform_indices = @transform_0, window_bounds = array<i64: 256, 1024>}, {pipeline_mode = #tpu.pipeline_mode<synchronous>, transform_indices = @transform_1, window_bounds = array<i64: 64, 1024>}, {pipeline_mode = #tpu.pipeline_mode<synchronous>, transform_indices = @transform_2, window_bounds = array<i64: 1, 64>}, {pipeline_mode = #tpu.pipeline_mode<synchronous>, transform_indices = @transform_3, window_bounds = array<i64: 1, 64>}, {pipeline_mode = #tpu.pipeline_mode<synchronous>, transform_indices = @transform_4, window_bounds = array<i64: 1, 64>}, {pipeline_mode = #tpu.pipeline_mode<synchronous>, transform_indices = @transform_5, window_bounds = array<i64: 64, 64>}, {pipeline_mode = #tpu.pipeline_mode<synchronous>, transform_indices = @transform_6, window_bounds = array<i64: 32, 64>}, {pipeline_mode = #tpu.pipeline_mode<synchronous>, transform_indices = @transform_7, window_bounds = array<i64: 1, 32>}, {pipeline_mode = #tpu.pipeline_mode<synchronous>, transform_indices = @transform_8, window_bounds = array<i64: 4, 32>}, {pipeline_mode = #tpu.pipeline_mode<synchronous>, transform_indices = @transform_9, window_bounds = array<i64: 1, 4>}, {pipeline_mode = #tpu.pipeline_mode<synchronous>, transform_indices = @transform_10, window_bounds = array<i64: 2184, 1092>}, {pipeline_mode = #tpu.pipeline_mode<synchronous>, transform_indices = @transform_11, window_bounds = array<i64: 1, 2184>}, {pipeline_mode = #tpu.pipeline_mode<synchronous>, transform_indices = @transform_12, window_bounds = array<i64: 1, 2184>}, {pipeline_mode = #tpu.pipeline_mode<synchronous>, transform_indices = @transform_13, window_bounds = array<i64: 1, 2184>}, {pipeline_mode = #tpu.pipeline_mode<synchronous>, transform_indices = @transform_14, window_bounds = array<i64: 1092, 2184>}, {pipeline_mode = #tpu.pipeline_mode<synchronous>, transform_indices = @transform_15, window_bounds = array<i64: 1, 1092>}, {pipeline_mode = #tpu.pipeline_mode<synchronous>, transform_indices = @transform_16, window_bounds = array<i64: 1, 1092>}, {pipeline_mode = #tpu.pipeline_mode<synchronous>, transform_indices = @transform_17, window_bounds = array<i64: 1, 1092>}, {pipeline_mode = #tpu.pipeline_mode<synchronous>, transform_indices = @transform_18, window_bounds = array<i64: 8, 1092>}, {pipeline_mode = #tpu.pipeline_mode<synchronous>, transform_indices = @transform_19, window_bounds = array<i64: 1, 8>}, {pipeline_mode = #tpu.pipeline_mode<synchronous>, transform_indices = @transform_20, window_bounds = array<i64: 16, 4>}, {pipeline_mode = #tpu.pipeline_mode<synchronous>, transform_indices = @transform_21, window_bounds = array<i64: 1, 16>}, {pipeline_mode = #tpu.pipeline_mode<synchronous>, transform_indices = @transform_22, window_bounds = array<i64: 1, 16>}, {pipeline_mode = #tpu.pipeline_mode<synchronous>, transform_indices = @transform_23, window_bounds = array<i64: 1, 1>}, {pipeline_mode = #tpu.pipeline_mode<synchronous>, transform_indices = @transform_24, window_bounds = array<i64: 8, 4>}, {transform_indices = @transform_25, window_bounds = array<i64: 256, 8>}, {transform_indices = @transform_26, window_bounds = array<i64: 256, 1>}, {pipeline_mode = #tpu.pipeline_mode<synchronous>, transform_indices = @transform_27, window_bounds = array<i64: 1, 8>}]} {
    %get3A = arith.constant 0 : index
    %get3A_0 = arith.constant 0 : index
    %get3A_1 = vector.load %arg1[%get3A, %get3A_0] : memref<256x1024xf32, #tpu.memory_space<vmem>>, vector<256x1024xf32>
    %get3A_2 = arith.constant 0 : index
    %get3A_3 = arith.constant 0 : index
    %get3A_4 = vector.load %arg2[%get3A_2, %get3A_3] : memref<64x1024xf32, #tpu.memory_space<vmem>>, vector<64x1024xf32>
    %dot_general3A = arith.constant dense<0.000000e+00> : vector<256x64xf32>
    %dot_general3A_5 = tpu.matmul %get3A_1, %get3A_4, %dot_general3A {dimension_numbers = #tpu.dot_dimension_numbers<[1], [1], [0], [0], [0, 0, 1, 0], [], []>, transpose_lhs_hint = false} : vector<256x1024xf32>, vector<64x1024xf32>, vector<256x64xf32> -> vector<256x64xf32>
    %get3A_6 = arith.constant 0 : index
    %get3A_7 = arith.constant 0 : index
    %get3A_8 = vector.load %arg3[%get3A_6, %get3A_7] : memref<1x64xf32, #tpu.memory_space<vmem>>, vector<1x64xf32>
    %add3A = vector.broadcast %get3A_8 : vector<1x64xf32> to vector<256x64xf32>
    %add3A_9 = arith.addf %dot_general3A_5, %add3A : vector<256x64xf32>
    %max3A = arith.constant 0.000000e+00 : f32
    %max3A_10 = vector.broadcast %max3A : f32 to vector<256x64xf32>
    %max3A_11 = arith.maximumf %add3A_9, %max3A_10 : vector<256x64xf32>
    %get3A_12 = arith.constant 0 : index
    %get3A_13 = arith.constant 0 : index
    %get3A_14 = vector.load %arg6[%get3A_12, %get3A_13] : memref<64x64xf32, #tpu.memory_space<vmem>>, vector<64x64xf32>
    %dot_general3A_15 = arith.constant dense<0.000000e+00> : vector<256x64xf32>
    %dot_general3A_16 = tpu.matmul %max3A_11, %get3A_14, %dot_general3A_15 {dimension_numbers = #tpu.dot_dimension_numbers<[1], [0], [0], [1], [0, 0, 1, 1], [], []>, precision = #tpu.contract_precision<fp32>, transpose_lhs_hint = false} : vector<256x64xf32>, vector<64x64xf32>, vector<256x64xf32> -> vector<256x64xf32>
    %mul3A = arith.mulf %max3A_11, %max3A_11 : vector<256x64xf32>
    %get3A_17 = arith.constant 0 : index
    %get3A_18 = arith.constant 0 : index
    %get3A_19 = vector.load %arg6[%get3A_17, %get3A_18] : memref<64x64xf32, #tpu.memory_space<vmem>>, vector<64x64xf32>
    %dot_general3A_20 = arith.constant dense<0.000000e+00> : vector<256x64xf32>
    %dot_general3A_21 = tpu.matmul %mul3A, %get3A_19, %dot_general3A_20 {dimension_numbers = #tpu.dot_dimension_numbers<[1], [0], [0], [1], [0, 0, 1, 1], [], []>, precision = #tpu.contract_precision<fp32>, transpose_lhs_hint = false} : vector<256x64xf32>, vector<64x64xf32>, vector<256x64xf32> -> vector<256x64xf32>
    %mul3A_22 = arith.mulf %dot_general3A_16, %dot_general3A_16 : vector<256x64xf32>
    %sub3A = arith.subf %dot_general3A_21, %mul3A_22 : vector<256x64xf32>
    %sub3A_23 = arith.subf %max3A_11, %dot_general3A_16 : vector<256x64xf32>
    %add3A_24 = arith.constant 9.99999974E-6 : f32
    %add3A_25 = vector.broadcast %add3A_24 : f32 to vector<256x64xf32>
    %add3A_26 = arith.addf %sub3A, %add3A_25 : vector<256x64xf32>
    %rsqrt3A = math.rsqrt %add3A_26 : vector<256x64xf32>
    %mul3A_27 = arith.mulf %sub3A_23, %rsqrt3A : vector<256x64xf32>
    %get3A_28 = arith.constant 0 : index
    %get3A_29 = arith.constant 0 : index
    %get3A_30 = vector.load %arg4[%get3A_28, %get3A_29] : memref<1x64xf32, #tpu.memory_space<vmem>>, vector<1x64xf32>
    %mul3A_31 = vector.broadcast %get3A_30 : vector<1x64xf32> to vector<256x64xf32>
    %mul3A_32 = arith.mulf %mul3A_27, %mul3A_31 : vector<256x64xf32>
    %get3A_33 = arith.constant 0 : index
    %get3A_34 = arith.constant 0 : index
    %get3A_35 = vector.load %arg5[%get3A_33, %get3A_34] : memref<1x64xf32, #tpu.memory_space<vmem>>, vector<1x64xf32>
    %add3A_36 = vector.broadcast %get3A_35 : vector<1x64xf32> to vector<256x64xf32>
    %add3A_37 = arith.addf %mul3A_32, %add3A_36 : vector<256x64xf32>
    %get3A_38 = arith.constant 0 : index
    %get3A_39 = arith.constant 0 : index
    %get3A_40 = vector.load %arg7[%get3A_38, %get3A_39] : memref<32x64xf32, #tpu.memory_space<vmem>>, vector<32x64xf32>
    %dot_general3A_41 = arith.constant dense<0.000000e+00> : vector<256x32xf32>
    %dot_general3A_42 = tpu.matmul %add3A_37, %get3A_40, %dot_general3A_41 {dimension_numbers = #tpu.dot_dimension_numbers<[1], [1], [0], [0], [0, 0, 1, 0], [], []>, transpose_lhs_hint = false} : vector<256x64xf32>, vector<32x64xf32>, vector<256x32xf32> -> vector<256x32xf32>
    %get3A_43 = arith.constant 0 : index
    %get3A_44 = arith.constant 0 : index
    %get3A_45 = vector.load %arg8[%get3A_43, %get3A_44] : memref<1x32xf32, #tpu.memory_space<vmem>>, vector<1x32xf32>
    %add3A_46 = vector.broadcast %get3A_45 : vector<1x32xf32> to vector<256x32xf32>
    %add3A_47 = arith.addf %dot_general3A_42, %add3A_46 : vector<256x32xf32>
    %max3A_48 = arith.constant 0.000000e+00 : f32
    %max3A_49 = vector.broadcast %max3A_48 : f32 to vector<256x32xf32>
    %max3A_50 = arith.maximumf %add3A_47, %max3A_49 : vector<256x32xf32>
    %get3A_51 = arith.constant 0 : index
    %get3A_52 = arith.constant 0 : index
    %get3A_53 = vector.load %arg9[%get3A_51, %get3A_52] : memref<4x32xf32, #tpu.memory_space<vmem>>, vector<4x32xf32>
    %dot_general3A_54 = arith.constant dense<0.000000e+00> : vector<256x4xf32>
    %dot_general3A_55 = tpu.matmul %max3A_50, %get3A_53, %dot_general3A_54 {dimension_numbers = #tpu.dot_dimension_numbers<[1], [1], [0], [0], [0, 0, 1, 0], [], []>, transpose_lhs_hint = false} : vector<256x32xf32>, vector<4x32xf32>, vector<256x4xf32> -> vector<256x4xf32>
    %get3A_56 = arith.constant 0 : index
    %get3A_57 = arith.constant 0 : index
    %get3A_58 = vector.load %arg10[%get3A_56, %get3A_57] : memref<1x4xf32, #tpu.memory_space<vmem>>, vector<1x4xf32>
    %add3A_59 = vector.broadcast %get3A_58 : vector<1x4xf32> to vector<256x4xf32>
    %add3A_60 = arith.addf %dot_general3A_55, %add3A_59 : vector<256x4xf32>
    %reduce_max3A = arith.constant dense<0xFF800000> : vector<256xf32>
    %reduce_max3A_61 = vector.multi_reduction <maximumf>, %add3A_60, %reduce_max3A [1] : vector<256x4xf32> to vector<256xf32>
    %broadcast_in_dim3A = vector.shape_cast %reduce_max3A_61 : vector<256xf32> to vector<256x1xf32>
    %sub3A_62 = vector.broadcast %broadcast_in_dim3A : vector<256x1xf32> to vector<256x4xf32>
    %sub3A_63 = arith.subf %add3A_60, %sub3A_62 : vector<256x4xf32>
    %exp3A = math.exp %sub3A_63 : vector<256x4xf32>
    %reduce_sum3A = arith.constant dense<0.000000e+00> : vector<256xf32>
    %reduce_sum3A_64 = vector.multi_reduction <add>, %exp3A, %reduce_sum3A [1] : vector<256x4xf32> to vector<256xf32>
    %broadcast_in_dim3A_65 = vector.shape_cast %reduce_sum3A_64 : vector<256xf32> to vector<256x1xf32>
    %div3A = vector.broadcast %broadcast_in_dim3A_65 : vector<256x1xf32> to vector<256x4xf32>
    %div3A_66 = arith.divf %exp3A, %div3A : vector<256x4xf32>
    %concatenate3A = tpu.concatenate %get3A_1, %add3A_37, %div3A_66 in 1 : vector<256x1024xf32>, vector<256x64xf32>, vector<256x4xf32> -> vector<256x1092xf32>
    %get3A_67 = arith.constant 0 : index
    %get3A_68 = arith.constant 0 : index
    %get3A_69 = vector.load %arg11[%get3A_67, %get3A_68] : memref<2184x1092xf32, #tpu.memory_space<vmem>>, vector<2184x1092xf32>
    %dot_general3A_70 = arith.constant dense<0.000000e+00> : vector<256x2184xf32>
    %dot_general3A_71 = tpu.matmul %concatenate3A, %get3A_69, %dot_general3A_70 {dimension_numbers = #tpu.dot_dimension_numbers<[1], [1], [0], [0], [0, 0, 1, 0], [], []>, transpose_lhs_hint = false} : vector<256x1092xf32>, vector<2184x1092xf32>, vector<256x2184xf32> -> vector<256x2184xf32>
    %get3A_72 = arith.constant 0 : index
    %get3A_73 = arith.constant 0 : index
    %get3A_74 = vector.load %arg12[%get3A_72, %get3A_73] : memref<1x2184xf32, #tpu.memory_space<vmem>>, vector<1x2184xf32>
    %add3A_75 = vector.broadcast %get3A_74 : vector<1x2184xf32> to vector<256x2184xf32>
    %add3A_76 = arith.addf %dot_general3A_71, %add3A_75 : vector<256x2184xf32>
    %reduce_sum3A_77 = arith.constant dense<0.000000e+00> : vector<256xf32>
    %reduce_sum3A_78 = vector.multi_reduction <add>, %add3A_76, %reduce_sum3A_77 [1] : vector<256x2184xf32> to vector<256xf32>
    %broadcast_in_dim3A_79 = vector.shape_cast %reduce_sum3A_78 : vector<256xf32> to vector<256x1xf32>
    %mul3A_80 = arith.constant 4.5787546E-4 : f32
    %mul3A_81 = vector.broadcast %mul3A_80 : f32 to vector<256x1xf32>
    %mul3A_82 = arith.mulf %broadcast_in_dim3A_79, %mul3A_81 : vector<256x1xf32>
    %sub3A_83 = vector.broadcast %mul3A_82 : vector<256x1xf32> to vector<256x2184xf32>
    %sub3A_84 = arith.subf %add3A_76, %sub3A_83 : vector<256x2184xf32>
    %mul3A_85 = arith.mulf %sub3A_84, %sub3A_84 : vector<256x2184xf32>
    %reduce_sum3A_86 = arith.constant dense<0.000000e+00> : vector<256xf32>
    %reduce_sum3A_87 = vector.multi_reduction <add>, %mul3A_85, %reduce_sum3A_86 [1] : vector<256x2184xf32> to vector<256xf32>
    %broadcast_in_dim3A_88 = vector.shape_cast %reduce_sum3A_87 : vector<256xf32> to vector<256x1xf32>
    %mul3A_89 = arith.constant 4.5787546E-4 : f32
    %mul3A_90 = vector.broadcast %mul3A_89 : f32 to vector<256x1xf32>
    %mul3A_91 = arith.mulf %broadcast_in_dim3A_88, %mul3A_90 : vector<256x1xf32>
    %add3A_92 = arith.constant 9.99999974E-6 : f32
    %add3A_93 = vector.broadcast %add3A_92 : f32 to vector<256x1xf32>
    %add3A_94 = arith.addf %mul3A_91, %add3A_93 : vector<256x1xf32>
    %rsqrt3A_95 = math.rsqrt %add3A_94 : vector<256x1xf32>
    %mul3A_96 = vector.broadcast %rsqrt3A_95 : vector<256x1xf32> to vector<256x2184xf32>
    %mul3A_97 = arith.mulf %sub3A_84, %mul3A_96 : vector<256x2184xf32>
    %get3A_98 = arith.constant 0 : index
    %get3A_99 = arith.constant 0 : index
    %get3A_100 = vector.load %arg13[%get3A_98, %get3A_99] : memref<1x2184xf32, #tpu.memory_space<vmem>>, vector<1x2184xf32>
    %mul3A_101 = vector.broadcast %get3A_100 : vector<1x2184xf32> to vector<256x2184xf32>
    %mul3A_102 = arith.mulf %mul3A_97, %mul3A_101 : vector<256x2184xf32>
    %get3A_103 = arith.constant 0 : index
    %get3A_104 = arith.constant 0 : index
    %get3A_105 = vector.load %arg14[%get3A_103, %get3A_104] : memref<1x2184xf32, #tpu.memory_space<vmem>>, vector<1x2184xf32>
    %add3A_106 = vector.broadcast %get3A_105 : vector<1x2184xf32> to vector<256x2184xf32>
    %add3A_107 = arith.addf %mul3A_102, %add3A_106 : vector<256x2184xf32>
    %mul3A_108 = arith.constant 5.000000e-01 : f32
    %mul3A_109 = vector.broadcast %mul3A_108 : f32 to vector<256x2184xf32>
    %mul3A_110 = arith.mulf %mul3A_109, %add3A_107 : vector<256x2184xf32>
    %sqrt3A = arith.constant 2.000000e+00 : f32
    %sqrt3A_111 = math.sqrt %sqrt3A : f32
    %div3A_112 = vector.broadcast %sqrt3A_111 : f32 to vector<256x2184xf32>
    %div3A_113 = arith.divf %add3A_107, %div3A_112 : vector<256x2184xf32>
    %erf3A = math.erf %div3A_113 : vector<256x2184xf32>
    %add3A_114 = arith.constant 1.000000e+00 : f32
    %add3A_115 = vector.broadcast %add3A_114 : f32 to vector<256x2184xf32>
    %add3A_116 = arith.addf %add3A_115, %erf3A : vector<256x2184xf32>
    %mul3A_117 = arith.mulf %mul3A_110, %add3A_116 : vector<256x2184xf32>
    %get3A_118 = arith.constant 0 : index
    %get3A_119 = arith.constant 0 : index
    %get3A_120 = vector.load %arg15[%get3A_118, %get3A_119] : memref<1092x2184xf32, #tpu.memory_space<vmem>>, vector<1092x2184xf32>
    %dot_general3A_121 = arith.constant dense<0.000000e+00> : vector<256x1092xf32>
    %dot_general3A_122 = tpu.matmul %mul3A_117, %get3A_120, %dot_general3A_121 {dimension_numbers = #tpu.dot_dimension_numbers<[1], [1], [0], [0], [0, 0, 1, 0], [], []>, transpose_lhs_hint = false} : vector<256x2184xf32>, vector<1092x2184xf32>, vector<256x1092xf32> -> vector<256x1092xf32>
    %get3A_123 = arith.constant 0 : index
    %get3A_124 = arith.constant 0 : index
    %get3A_125 = vector.load %arg16[%get3A_123, %get3A_124] : memref<1x1092xf32, #tpu.memory_space<vmem>>, vector<1x1092xf32>
    %add3A_126 = vector.broadcast %get3A_125 : vector<1x1092xf32> to vector<256x1092xf32>
    %add3A_127 = arith.addf %dot_general3A_122, %add3A_126 : vector<256x1092xf32>
    %reduce_sum3A_128 = arith.constant dense<0.000000e+00> : vector<256xf32>
    %reduce_sum3A_129 = vector.multi_reduction <add>, %add3A_127, %reduce_sum3A_128 [1] : vector<256x1092xf32> to vector<256xf32>
    %broadcast_in_dim3A_130 = vector.shape_cast %reduce_sum3A_129 : vector<256xf32> to vector<256x1xf32>
    %mul3A_131 = arith.constant 9.15750919E-4 : f32
    %mul3A_132 = vector.broadcast %mul3A_131 : f32 to vector<256x1xf32>
    %mul3A_133 = arith.mulf %broadcast_in_dim3A_130, %mul3A_132 : vector<256x1xf32>
    %sub3A_134 = vector.broadcast %mul3A_133 : vector<256x1xf32> to vector<256x1092xf32>
    %sub3A_135 = arith.subf %add3A_127, %sub3A_134 : vector<256x1092xf32>
    %mul3A_136 = arith.mulf %sub3A_135, %sub3A_135 : vector<256x1092xf32>
    %reduce_sum3A_137 = arith.constant dense<0.000000e+00> : vector<256xf32>
    %reduce_sum3A_138 = vector.multi_reduction <add>, %mul3A_136, %reduce_sum3A_137 [1] : vector<256x1092xf32> to vector<256xf32>
    %broadcast_in_dim3A_139 = vector.shape_cast %reduce_sum3A_138 : vector<256xf32> to vector<256x1xf32>
    %mul3A_140 = arith.constant 9.15750919E-4 : f32
    %mul3A_141 = vector.broadcast %mul3A_140 : f32 to vector<256x1xf32>
    %mul3A_142 = arith.mulf %broadcast_in_dim3A_139, %mul3A_141 : vector<256x1xf32>
    %add3A_143 = arith.constant 9.99999974E-6 : f32
    %add3A_144 = vector.broadcast %add3A_143 : f32 to vector<256x1xf32>
    %add3A_145 = arith.addf %mul3A_142, %add3A_144 : vector<256x1xf32>
    %rsqrt3A_146 = math.rsqrt %add3A_145 : vector<256x1xf32>
    %mul3A_147 = vector.broadcast %rsqrt3A_146 : vector<256x1xf32> to vector<256x1092xf32>
    %mul3A_148 = arith.mulf %sub3A_135, %mul3A_147 : vector<256x1092xf32>
    %get3A_149 = arith.constant 0 : index
    %get3A_150 = arith.constant 0 : index
    %get3A_151 = vector.load %arg17[%get3A_149, %get3A_150] : memref<1x1092xf32, #tpu.memory_space<vmem>>, vector<1x1092xf32>
    %mul3A_152 = vector.broadcast %get3A_151 : vector<1x1092xf32> to vector<256x1092xf32>
    %mul3A_153 = arith.mulf %mul3A_148, %mul3A_152 : vector<256x1092xf32>
    %get3A_154 = arith.constant 0 : index
    %get3A_155 = arith.constant 0 : index
    %get3A_156 = vector.load %arg18[%get3A_154, %get3A_155] : memref<1x1092xf32, #tpu.memory_space<vmem>>, vector<1x1092xf32>
    %add3A_157 = vector.broadcast %get3A_156 : vector<1x1092xf32> to vector<256x1092xf32>
    %add3A_158 = arith.addf %mul3A_153, %add3A_157 : vector<256x1092xf32>
    %mul3A_159 = arith.constant 5.000000e-01 : f32
    %mul3A_160 = vector.broadcast %mul3A_159 : f32 to vector<256x1092xf32>
    %mul3A_161 = arith.mulf %mul3A_160, %add3A_158 : vector<256x1092xf32>
    %sqrt3A_162 = arith.constant 2.000000e+00 : f32
    %sqrt3A_163 = math.sqrt %sqrt3A_162 : f32
    %div3A_164 = vector.broadcast %sqrt3A_163 : f32 to vector<256x1092xf32>
    %div3A_165 = arith.divf %add3A_158, %div3A_164 : vector<256x1092xf32>
    %erf3A_166 = math.erf %div3A_165 : vector<256x1092xf32>
    %add3A_167 = arith.constant 1.000000e+00 : f32
    %add3A_168 = vector.broadcast %add3A_167 : f32 to vector<256x1092xf32>
    %add3A_169 = arith.addf %add3A_168, %erf3A_166 : vector<256x1092xf32>
    %mul3A_170 = arith.mulf %mul3A_161, %add3A_169 : vector<256x1092xf32>
    %get3A_171 = arith.constant 0 : index
    %get3A_172 = arith.constant 0 : index
    %get3A_173 = vector.load %arg19[%get3A_171, %get3A_172] : memref<8x1092xf32, #tpu.memory_space<vmem>>, vector<8x1092xf32>
    %dot_general3A_174 = arith.constant dense<0.000000e+00> : vector<256x8xf32>
    %dot_general3A_175 = tpu.matmul %mul3A_170, %get3A_173, %dot_general3A_174 {dimension_numbers = #tpu.dot_dimension_numbers<[1], [1], [0], [0], [0, 0, 1, 0], [], []>, transpose_lhs_hint = false} : vector<256x1092xf32>, vector<8x1092xf32>, vector<256x8xf32> -> vector<256x8xf32>
    %get3A_176 = arith.constant 0 : index
    %get3A_177 = arith.constant 0 : index
    %get3A_178 = vector.load %arg20[%get3A_176, %get3A_177] : memref<1x8xf32, #tpu.memory_space<vmem>>, vector<1x8xf32>
    %add3A_179 = vector.broadcast %get3A_178 : vector<1x8xf32> to vector<256x8xf32>
    %add3A_180 = arith.addf %dot_general3A_175, %add3A_179 : vector<256x8xf32>
    %get3A_181 = arith.constant 0 : index
    %get3A_182 = arith.constant 0 : index
    %get3A_183 = vector.load %arg25[%get3A_181, %get3A_182] : memref<8x4xf32, #tpu.memory_space<vmem>>, vector<8x4xf32>
    %dot_general3A_184 = arith.constant dense<0.000000e+00> : vector<256x8xf32>
    %dot_general3A_185 = tpu.matmul %div3A_66, %get3A_183, %dot_general3A_184 {dimension_numbers = #tpu.dot_dimension_numbers<[1], [1], [0], [0], [0, 0, 1, 0], [], []>, transpose_lhs_hint = false} : vector<256x4xf32>, vector<8x4xf32>, vector<256x8xf32> -> vector<256x8xf32>
    %add3A_186 = arith.addf %add3A_180, %dot_general3A_185 : vector<256x8xf32>
    %get3A_187 = arith.constant 0 : index
    %get3A_188 = arith.constant 0 : index
    %get3A_189 = vector.load %arg21[%get3A_187, %get3A_188] : memref<16x4xf32, #tpu.memory_space<vmem>>, vector<16x4xf32>
    %dot_general3A_190 = arith.constant dense<0.000000e+00> : vector<256x16xf32>
    %dot_general3A_191 = tpu.matmul %div3A_66, %get3A_189, %dot_general3A_190 {dimension_numbers = #tpu.dot_dimension_numbers<[1], [1], [0], [0], [0, 0, 1, 0], [], []>, transpose_lhs_hint = false} : vector<256x4xf32>, vector<16x4xf32>, vector<256x16xf32> -> vector<256x16xf32>
    %get3A_192 = arith.constant 0 : index
    %get3A_193 = arith.constant 0 : index
    %get3A_194 = vector.load %arg22[%get3A_192, %get3A_193] : memref<1x16xf32, #tpu.memory_space<vmem>>, vector<1x16xf32>
    %add3A_195 = vector.broadcast %get3A_194 : vector<1x16xf32> to vector<256x16xf32>
    %add3A_196 = arith.addf %dot_general3A_191, %add3A_195 : vector<256x16xf32>
    %max3A_197 = arith.constant 0.000000e+00 : f32
    %max3A_198 = vector.broadcast %max3A_197 : f32 to vector<256x16xf32>
    %max3A_199 = arith.maximumf %add3A_196, %max3A_198 : vector<256x16xf32>
    %convert_element_type3A = arith.truncf %max3A_199 : vector<256x16xf32> to vector<256x16xbf16>
    %convert_element_type3A_200 = arith.extf %convert_element_type3A : vector<256x16xbf16> to vector<256x16xf32>
    %get3A_201 = arith.constant 0 : index
    %get3A_202 = arith.constant 0 : index
    %get3A_203 = vector.load %arg23[%get3A_201, %get3A_202] : memref<1x16xf32, #tpu.memory_space<vmem>>, vector<1x16xf32>
    %convert_element_type3A_204 = arith.truncf %get3A_203 : vector<1x16xf32> to vector<1x16xbf16>
    %convert_element_type3A_205 = arith.extf %convert_element_type3A_204 : vector<1x16xbf16> to vector<1x16xf32>
    %mul3A_206 = vector.broadcast %convert_element_type3A_205 : vector<1x16xf32> to vector<256x16xf32>
    %mul3A_207 = arith.mulf %convert_element_type3A_200, %mul3A_206 : vector<256x16xf32>
    %reduce_sum3A_208 = arith.constant dense<0.000000e+00> : vector<256xf32>
    %reduce_sum3A_209 = vector.multi_reduction <add>, %mul3A_207, %reduce_sum3A_208 [1] : vector<256x16xf32> to vector<256xf32>
    %broadcast_in_dim3A_210 = vector.shape_cast %reduce_sum3A_209 : vector<256xf32> to vector<256x1xf32>
    %get3A_211 = arith.constant 0 : index
    %get3A_212 = arith.constant 0 : index
    %get3A_213 = vector.load %arg24[%get3A_211, %get3A_212] : memref<1x1xf32, #tpu.memory_space<vmem>>, vector<1x1xf32>
    %get3A_214 = vector.extract %get3A_213[0, 0] : f32 from vector<1x1xf32>
    %add3A_215 = vector.broadcast %get3A_214 : f32 to vector<256x1xf32>
    %add3A_216 = arith.addf %broadcast_in_dim3A_210, %add3A_215 : vector<256x1xf32>
    %logistic3A = arith.negf %add3A_216 : vector<256x1xf32>
    %logistic3A_217 = math.exp %logistic3A : vector<256x1xf32>
    %logistic3A_218 = arith.constant 1.000000e+00 : f32
    %logistic3A_219 = vector.broadcast %logistic3A_218 : f32 to vector<256x1xf32>
    %logistic3A_220 = arith.addf %logistic3A_219, %logistic3A_217 : vector<256x1xf32>
    %logistic3A_221 = arith.divf %logistic3A_219, %logistic3A_220 : vector<256x1xf32>
    %swap3A = arith.constant 0 : index
    %swap3A_222 = arith.constant 0 : index
    %swap3A_223 = vector.load %arg26[%swap3A, %swap3A_222] : memref<256x8xf32, #tpu.memory_space<vmem>>, vector<256x8xf32>
    tpu.vector_store %arg26[%swap3A, %swap3A_222], %add3A_186 {strides = array<i32>} : memref<256x8xf32, #tpu.memory_space<vmem>>, vector<256x8xf32>,
    %swap3A_224 = arith.constant 0 : index
    %swap3A_225 = arith.constant 0 : index
    %swap3A_226 = vector.load %arg27[%swap3A_224, %swap3A_225] : memref<256x1xf32, #tpu.memory_space<vmem>>, vector<256x1xf32>
    tpu.vector_store %arg27[%swap3A_224, %swap3A_225], %logistic3A_221 {strides = array<i32>} : memref<256x1xf32, #tpu.memory_space<vmem>>, vector<256x1xf32>,
    %reduce_max3A_227 = arith.constant dense<0xFF800000> : vector<256xf32>
    %reduce_max3A_228 = vector.multi_reduction <maximumf>, %add3A_186, %reduce_max3A_227 [1] : vector<256x8xf32> to vector<256xf32>
    %broadcast_in_dim3A_229 = vector.shape_cast %reduce_max3A_228 : vector<256xf32> to vector<256x1xf32>
    %sub3A_230 = vector.broadcast %broadcast_in_dim3A_229 : vector<256x1xf32> to vector<256x8xf32>
    %sub3A_231 = arith.subf %add3A_186, %sub3A_230 : vector<256x8xf32>
    %exp3A_232 = math.exp %sub3A_231 : vector<256x8xf32>
    %reduce_sum3A_233 = arith.constant dense<0.000000e+00> : vector<256xf32>
    %reduce_sum3A_234 = vector.multi_reduction <add>, %exp3A_232, %reduce_sum3A_233 [1] : vector<256x8xf32> to vector<256xf32>
    %broadcast_in_dim3A_235 = vector.shape_cast %reduce_sum3A_234 : vector<256xf32> to vector<256x1xf32>
    %div3A_236 = vector.broadcast %broadcast_in_dim3A_235 : vector<256x1xf32> to vector<256x8xf32>
    %div3A_237 = arith.divf %exp3A_232, %div3A_236 : vector<256x8xf32>
    %reduce_sum3A_238 = arith.constant dense<0.000000e+00> : vector<8xf32>
    %reduce_sum3A_239 = vector.multi_reduction <add>, %div3A_237, %reduce_sum3A_238 [0] : vector<256x8xf32> to vector<8xf32>
    %broadcast_in_dim3A_240 = vector.shape_cast %reduce_sum3A_239 : vector<8xf32> to vector<1x8xf32>
    %eq3A = arith.constant 0 : i32
    %eq3A_241 = arith.cmpi eq, %arg0, %eq3A : i32
    %convert_element_type3A_242 = arith.extui %eq3A_241 : i1 to i32
    %cond3A = arith.constant 0 : i32
    %cond3A_243 = arith.cmpi ne, %convert_element_type3A_242, %cond3A : i32
    scf.if %cond3A_243 {
      %swap3A_248 = arith.constant 0 : index
      %swap3A_249 = arith.constant 0 : index
      %swap3A_250 = vector.load %arg28[%swap3A_248, %swap3A_249] : memref<1x8xf32, #tpu.memory_space<vmem>>, vector<1x8xf32>
      tpu.vector_store %arg28[%swap3A_248, %swap3A_249], %broadcast_in_dim3A_240 {strides = array<i32>} : memref<1x8xf32, #tpu.memory_space<vmem>>, vector<1x8xf32>,
    } else {
    }
    %gt3A = arith.constant 0 : i32
    %gt3A_244 = arith.cmpi sgt, %arg0, %gt3A : i32
    %convert_element_type3A_245 = arith.extui %gt3A_244 : i1 to i32
    %cond3A_246 = arith.constant 0 : i32
    %cond3A_247 = arith.cmpi ne, %convert_element_type3A_245, %cond3A_246 : i32
    scf.if %cond3A_247 {
      %get3A_248 = arith.constant 0 : index
      %get3A_249 = arith.constant 0 : index
      %get3A_250 = vector.load %arg28[%get3A_248, %get3A_249] : memref<1x8xf32, #tpu.memory_space<vmem>>, vector<1x8xf32>
      %add3A_251 = arith.addf %get3A_250, %broadcast_in_dim3A_240 : vector<1x8xf32>
      %swap3A_252 = arith.constant 0 : index
      %swap3A_253 = arith.constant 0 : index
      %swap3A_254 = vector.load %arg28[%swap3A_252, %swap3A_253] : memref<1x8xf32, #tpu.memory_space<vmem>>, vector<1x8xf32>
      tpu.vector_store %arg28[%swap3A_252, %swap3A_253], %add3A_251 {strides = array<i32>} : memref<1x8xf32, #tpu.memory_space<vmem>>, vector<1x8xf32>,
    } else {
    }
    return
  }
  func.func @transform_0(%arg0: i32) -> (i32, i32) {
    %c0_i32 = arith.constant 0 : i32
    %c0_i32_0 = arith.constant 0 : i32
    return %arg0, %c0_i32 : i32, i32
  }
  func.func @transform_1(%arg0: i32) -> (i32, i32) {
    %c0_i32 = arith.constant 0 : i32
    %c0_i32_0 = arith.constant 0 : i32
    %c0_i32_1 = arith.constant 0 : i32
    return %c0_i32, %c0_i32_0 : i32, i32
  }
  func.func @transform_2(%arg0: i32) -> (i32, i32) {
    %c0_i32 = arith.constant 0 : i32
    %c0_i32_0 = arith.constant 0 : i32
    %c0_i32_1 = arith.constant 0 : i32
    return %c0_i32, %c0_i32_0 : i32, i32
  }
  func.func @transform_3(%arg0: i32) -> (i32, i32) {
    %c0_i32 = arith.constant 0 : i32
    %c0_i32_0 = arith.constant 0 : i32
    %c0_i32_1 = arith.constant 0 : i32
    return %c0_i32, %c0_i32_0 : i32, i32
  }
  func.func @transform_4(%arg0: i32) -> (i32, i32) {
    %c0_i32 = arith.constant 0 : i32
    %c0_i32_0 = arith.constant 0 : i32
    %c0_i32_1 = arith.constant 0 : i32
    return %c0_i32, %c0_i32_0 : i32, i32
  }
  func.func @transform_5(%arg0: i32) -> (i32, i32) {
    %c0_i32 = arith.constant 0 : i32
    %c0_i32_0 = arith.constant 0 : i32
    %c0_i32_1 = arith.constant 0 : i32
    return %c0_i32, %c0_i32_0 : i32, i32
  }
  func.func @transform_6(%arg0: i32) -> (i32, i32) {
    %c0_i32 = arith.constant 0 : i32
    %c0_i32_0 = arith.constant 0 : i32
    %c0_i32_1 = arith.constant 0 : i32
    return %c0_i32, %c0_i32_0 : i32, i32
  }
  func.func @transform_7(%arg0: i32) -> (i32, i32) {
    %c0_i32 = arith.constant 0 : i32
    %c0_i32_0 = arith.constant 0 : i32
    %c0_i32_1 = arith.constant 0 : i32
    return %c0_i32, %c0_i32_0 : i32, i32
  }
  func.func @transform_8(%arg0: i32) -> (i32, i32) {
    %c0_i32 = arith.constant 0 : i32
    %c0_i32_0 = arith.constant 0 : i32
    %c0_i32_1 = arith.constant 0 : i32
    return %c0_i32, %c0_i32_0 : i32, i32
  }
  func.func @transform_9(%arg0: i32) -> (i32, i32) {
    %c0_i32 = arith.constant 0 : i32
    %c0_i32_0 = arith.constant 0 : i32
    %c0_i32_1 = arith.constant 0 : i32
    return %c0_i32, %c0_i32_0 : i32, i32
  }
  func.func @transform_10(%arg0: i32) -> (i32, i32) {
    %c0_i32 = arith.constant 0 : i32
    %c0_i32_0 = arith.constant 0 : i32
    %c0_i32_1 = arith.constant 0 : i32
    return %c0_i32, %c0_i32_0 : i32, i32
  }
  func.func @transform_11(%arg0: i32) -> (i32, i32) {
    %c0_i32 = arith.constant 0 : i32
    %c0_i32_0 = arith.constant 0 : i32
    %c0_i32_1 = arith.constant 0 : i32
    return %c0_i32, %c0_i32_0 : i32, i32
  }
  func.func @transform_12(%arg0: i32) -> (i32, i32) {
    %c0_i32 = arith.constant 0 : i32
    %c0_i32_0 = arith.constant 0 : i32
    %c0_i32_1 = arith.constant 0 : i32
    return %c0_i32, %c0_i32_0 : i32, i32
  }
  func.func @transform_13(%arg0: i32) -> (i32, i32) {
    %c0_i32 = arith.constant 0 : i32
    %c0_i32_0 = arith.constant 0 : i32
    %c0_i32_1 = arith.constant 0 : i32
    return %c0_i32, %c0_i32_0 : i32, i32
  }
  func.func @transform_14(%arg0: i32) -> (i32, i32) {
    %c0_i32 = arith.constant 0 : i32
    %c0_i32_0 = arith.constant 0 : i32
    %c0_i32_1 = arith.constant 0 : i32
    return %c0_i32, %c0_i32_0 : i32, i32
  }
  func.func @transform_15(%arg0: i32) -> (i32, i32) {
    %c0_i32 = arith.constant 0 : i32
    %c0_i32_0 = arith.constant 0 : i32
    %c0_i32_1 = arith.constant 0 : i32
    return %c0_i32, %c0_i32_0 : i32, i32
  }
  func.func @transform_16(%arg0: i32) -> (i32, i32) {
    %c0_i32 = arith.constant 0 : i32
    %c0_i32_0 = arith.constant 0 : i32
    %c0_i32_1 = arith.constant 0 : i32
    return %c0_i32, %c0_i32_0 : i32, i32
  }
  func.func @transform_17(%arg0: i32) -> (i32, i32) {
    %c0_i32 = arith.constant 0 : i32
    %c0_i32_0 = arith.constant 0 : i32
    %c0_i32_1 = arith.constant 0 : i32
    return %c0_i32, %c0_i32_0 : i32, i32
  }
  func.func @transform_18(%arg0: i32) -> (i32, i32) {
    %c0_i32 = arith.constant 0 : i32
    %c0_i32_0 = arith.constant 0 : i32
    %c0_i32_1 = arith.constant 0 : i32
    return %c0_i32, %c0_i32_0 : i32, i32
  }
  func.func @transform_19(%arg0: i32) -> (i32, i32) {
    %c0_i32 = arith.constant 0 : i32
    %c0_i32_0 = arith.constant 0 : i32
    %c0_i32_1 = arith.constant 0 : i32
    return %c0_i32, %c0_i32_0 : i32, i32
  }
  func.func @transform_20(%arg0: i32) -> (i32, i32) {
    %c0_i32 = arith.constant 0 : i32
    %c0_i32_0 = arith.constant 0 : i32
    %c0_i32_1 = arith.constant 0 : i32
    return %c0_i32, %c0_i32_0 : i32, i32
  }
  func.func @transform_21(%arg0: i32) -> (i32, i32) {
    %c0_i32 = arith.constant 0 : i32
    %c0_i32_0 = arith.constant 0 : i32
    %c0_i32_1 = arith.constant 0 : i32
    return %c0_i32, %c0_i32_0 : i32, i32
  }
  func.func @transform_22(%arg0: i32) -> (i32, i32) {
    %c0_i32 = arith.constant 0 : i32
    %c0_i32_0 = arith.constant 0 : i32
    %c0_i32_1 = arith.constant 0 : i32
    return %c0_i32, %c0_i32_0 : i32, i32
  }
  func.func @transform_23(%arg0: i32) -> (i32, i32) {
    %c0_i32 = arith.constant 0 : i32
    %c0_i32_0 = arith.constant 0 : i32
    %c0_i32_1 = arith.constant 0 : i32
    return %c0_i32, %c0_i32_0 : i32, i32
  }
  func.func @transform_24(%arg0: i32) -> (i32, i32) {
    %c0_i32 = arith.constant 0 : i32
    %c0_i32_0 = arith.constant 0 : i32
    %c0_i32_1 = arith.constant 0 : i32
    return %c0_i32, %c0_i32_0 : i32, i32
  }
  func.func @transform_25(%arg0: i32) -> (i32, i32) {
    %c0_i32 = arith.constant 0 : i32
    %c0_i32_0 = arith.constant 0 : i32
    return %arg0, %c0_i32 : i32, i32
  }
  func.func @transform_26(%arg0: i32) -> (i32, i32) {
    %c0_i32 = arith.constant 0 : i32
    %c0_i32_0 = arith.constant 0 : i32
    return %arg0, %c0_i32 : i32, i32
  }
  func.func @transform_27(%arg0: i32) -> (i32, i32) {
    %c0_i32 = arith.constant 0 : i32
    %c0_i32_0 = arith.constant 0 : i32
    %c0_i32_1 = arith.constant 0 : i32
    return %c0_i32, %c0_i32_0 : i32, i32
  }
}

module attributes {stable_mosaic.version = 14 : i64} {
  func.func @_loss_kernel(%arg0: memref<1x8xf32, #tpu.memory_space<vmem>>, %arg1: memref<1x2048xi32, #tpu.memory_space<vmem>>, %arg2: memref<1x1xf32, #tpu.memory_space<vmem>>) attributes {dimension_semantics = [], scalar_prefetch = 0 : i64, scratch_operands = 0 : i64, tpu.core_type = #tpu.core_type<tc>} {
    %get3A = arith.constant 0 : index
    %get3A_0 = arith.constant 0 : index
    %get3A_1 = vector.load %arg0[%get3A, %get3A_0] : memref<1x8xf32, #tpu.memory_space<vmem>>, vector<1x8xf32>
    %get3A_2 = arith.constant 0 : index
    %get3A_3 = arith.constant 0 : index
    %get3A_4 = vector.load %arg1[%get3A_2, %get3A_3] : memref<1x2048xi32, #tpu.memory_space<vmem>>, vector<1x2048xi32>
    %broadcast_in_dim3A = arith.constant 0.000000e+00 : f32
    %broadcast_in_dim3A_5 = vector.broadcast %broadcast_in_dim3A : f32 to vector<1x1xf32>
    %shift_right_arithmetic3A = arith.constant 0 : i32
    %shift_right_arithmetic3A_6 = vector.broadcast %shift_right_arithmetic3A : i32 to vector<1x2048xi32>
    %shift_right_arithmetic3A_7 = arith.shrsi %get3A_4, %shift_right_arithmetic3A_6 : vector<1x2048xi32>
    %and3A = arith.constant 1 : i32
    %and3A_8 = vector.broadcast %and3A : i32 to vector<1x2048xi32>
    %and3A_9 = arith.andi %shift_right_arithmetic3A_7, %and3A_8 : vector<1x2048xi32>
    %convert_element_type3A = arith.sitofp %and3A_9 : vector<1x2048xi32> to vector<1x2048xf32>
    %reduce_sum3A = vector.shape_cast %convert_element_type3A : vector<1x2048xf32> to vector<1x1x2048xf32>
    %reduce_sum3A_10 = arith.constant dense<0.000000e+00> : vector<1xf32>
    %reduce_sum3A_11 = vector.multi_reduction <add>, %reduce_sum3A, %reduce_sum3A_10 [1, 2] : vector<1x1x2048xf32> to vector<1xf32>
    %reduce_sum3A_12 = vector.shape_cast %reduce_sum3A_11 : vector<1xf32> to vector<1x1x1xf32>
    %reduce_sum3A_13 = vector.extract %reduce_sum3A_12[0, 0, 0] : f32 from vector<1x1x1xf32>
    %slice3A = vector.extract_strided_slice %get3A_1 {offsets = [0, 0], sizes = [1, 1], strides = [1, 1]} : vector<1x8xf32> to vector<1x1xf32>
    %squeeze3A = vector.extract %slice3A[0, 0] : f32 from vector<1x1xf32>
    %mul3A = arith.mulf %squeeze3A, %reduce_sum3A_13 : f32
    %add3A = vector.broadcast %mul3A : f32 to vector<1x1xf32>
    %add3A_14 = arith.addf %broadcast_in_dim3A_5, %add3A : vector<1x1xf32>
    %shift_right_arithmetic3A_15 = arith.constant 1 : i32
    %shift_right_arithmetic3A_16 = vector.broadcast %shift_right_arithmetic3A_15 : i32 to vector<1x2048xi32>
    %shift_right_arithmetic3A_17 = arith.shrsi %get3A_4, %shift_right_arithmetic3A_16 : vector<1x2048xi32>
    %and3A_18 = arith.constant 1 : i32
    %and3A_19 = vector.broadcast %and3A_18 : i32 to vector<1x2048xi32>
    %and3A_20 = arith.andi %shift_right_arithmetic3A_17, %and3A_19 : vector<1x2048xi32>
    %convert_element_type3A_21 = arith.sitofp %and3A_20 : vector<1x2048xi32> to vector<1x2048xf32>
    %reduce_sum3A_22 = vector.shape_cast %convert_element_type3A_21 : vector<1x2048xf32> to vector<1x1x2048xf32>
    %reduce_sum3A_23 = arith.constant dense<0.000000e+00> : vector<1xf32>
    %reduce_sum3A_24 = vector.multi_reduction <add>, %reduce_sum3A_22, %reduce_sum3A_23 [1, 2] : vector<1x1x2048xf32> to vector<1xf32>
    %reduce_sum3A_25 = vector.shape_cast %reduce_sum3A_24 : vector<1xf32> to vector<1x1x1xf32>
    %reduce_sum3A_26 = vector.extract %reduce_sum3A_25[0, 0, 0] : f32 from vector<1x1x1xf32>
    %slice3A_27 = vector.extract_strided_slice %get3A_1 {offsets = [0, 1], sizes = [1, 1], strides = [1, 1]} : vector<1x8xf32> to vector<1x1xf32>
    %squeeze3A_28 = vector.extract %slice3A_27[0, 0] : f32 from vector<1x1xf32>
    %mul3A_29 = arith.mulf %squeeze3A_28, %reduce_sum3A_26 : f32
    %add3A_30 = vector.broadcast %mul3A_29 : f32 to vector<1x1xf32>
    %add3A_31 = arith.addf %add3A_14, %add3A_30 : vector<1x1xf32>
    %shift_right_arithmetic3A_32 = arith.constant 2 : i32
    %shift_right_arithmetic3A_33 = vector.broadcast %shift_right_arithmetic3A_32 : i32 to vector<1x2048xi32>
    %shift_right_arithmetic3A_34 = arith.shrsi %get3A_4, %shift_right_arithmetic3A_33 : vector<1x2048xi32>
    %and3A_35 = arith.constant 1 : i32
    %and3A_36 = vector.broadcast %and3A_35 : i32 to vector<1x2048xi32>
    %and3A_37 = arith.andi %shift_right_arithmetic3A_34, %and3A_36 : vector<1x2048xi32>
    %convert_element_type3A_38 = arith.sitofp %and3A_37 : vector<1x2048xi32> to vector<1x2048xf32>
    %reduce_sum3A_39 = vector.shape_cast %convert_element_type3A_38 : vector<1x2048xf32> to vector<1x1x2048xf32>
    %reduce_sum3A_40 = arith.constant dense<0.000000e+00> : vector<1xf32>
    %reduce_sum3A_41 = vector.multi_reduction <add>, %reduce_sum3A_39, %reduce_sum3A_40 [1, 2] : vector<1x1x2048xf32> to vector<1xf32>
    %reduce_sum3A_42 = vector.shape_cast %reduce_sum3A_41 : vector<1xf32> to vector<1x1x1xf32>
    %reduce_sum3A_43 = vector.extract %reduce_sum3A_42[0, 0, 0] : f32 from vector<1x1x1xf32>
    %slice3A_44 = vector.extract_strided_slice %get3A_1 {offsets = [0, 2], sizes = [1, 1], strides = [1, 1]} : vector<1x8xf32> to vector<1x1xf32>
    %squeeze3A_45 = vector.extract %slice3A_44[0, 0] : f32 from vector<1x1xf32>
    %mul3A_46 = arith.mulf %squeeze3A_45, %reduce_sum3A_43 : f32
    %add3A_47 = vector.broadcast %mul3A_46 : f32 to vector<1x1xf32>
    %add3A_48 = arith.addf %add3A_31, %add3A_47 : vector<1x1xf32>
    %shift_right_arithmetic3A_49 = arith.constant 3 : i32
    %shift_right_arithmetic3A_50 = vector.broadcast %shift_right_arithmetic3A_49 : i32 to vector<1x2048xi32>
    %shift_right_arithmetic3A_51 = arith.shrsi %get3A_4, %shift_right_arithmetic3A_50 : vector<1x2048xi32>
    %and3A_52 = arith.constant 1 : i32
    %and3A_53 = vector.broadcast %and3A_52 : i32 to vector<1x2048xi32>
    %and3A_54 = arith.andi %shift_right_arithmetic3A_51, %and3A_53 : vector<1x2048xi32>
    %convert_element_type3A_55 = arith.sitofp %and3A_54 : vector<1x2048xi32> to vector<1x2048xf32>
    %reduce_sum3A_56 = vector.shape_cast %convert_element_type3A_55 : vector<1x2048xf32> to vector<1x1x2048xf32>
    %reduce_sum3A_57 = arith.constant dense<0.000000e+00> : vector<1xf32>
    %reduce_sum3A_58 = vector.multi_reduction <add>, %reduce_sum3A_56, %reduce_sum3A_57 [1, 2] : vector<1x1x2048xf32> to vector<1xf32>
    %reduce_sum3A_59 = vector.shape_cast %reduce_sum3A_58 : vector<1xf32> to vector<1x1x1xf32>
    %reduce_sum3A_60 = vector.extract %reduce_sum3A_59[0, 0, 0] : f32 from vector<1x1x1xf32>
    %slice3A_61 = vector.extract_strided_slice %get3A_1 {offsets = [0, 3], sizes = [1, 1], strides = [1, 1]} : vector<1x8xf32> to vector<1x1xf32>
    %squeeze3A_62 = vector.extract %slice3A_61[0, 0] : f32 from vector<1x1xf32>
    %mul3A_63 = arith.mulf %squeeze3A_62, %reduce_sum3A_60 : f32
    %add3A_64 = vector.broadcast %mul3A_63 : f32 to vector<1x1xf32>
    %add3A_65 = arith.addf %add3A_48, %add3A_64 : vector<1x1xf32>
    %shift_right_arithmetic3A_66 = arith.constant 4 : i32
    %shift_right_arithmetic3A_67 = vector.broadcast %shift_right_arithmetic3A_66 : i32 to vector<1x2048xi32>
    %shift_right_arithmetic3A_68 = arith.shrsi %get3A_4, %shift_right_arithmetic3A_67 : vector<1x2048xi32>
    %and3A_69 = arith.constant 1 : i32
    %and3A_70 = vector.broadcast %and3A_69 : i32 to vector<1x2048xi32>
    %and3A_71 = arith.andi %shift_right_arithmetic3A_68, %and3A_70 : vector<1x2048xi32>
    %convert_element_type3A_72 = arith.sitofp %and3A_71 : vector<1x2048xi32> to vector<1x2048xf32>
    %reduce_sum3A_73 = vector.shape_cast %convert_element_type3A_72 : vector<1x2048xf32> to vector<1x1x2048xf32>
    %reduce_sum3A_74 = arith.constant dense<0.000000e+00> : vector<1xf32>
    %reduce_sum3A_75 = vector.multi_reduction <add>, %reduce_sum3A_73, %reduce_sum3A_74 [1, 2] : vector<1x1x2048xf32> to vector<1xf32>
    %reduce_sum3A_76 = vector.shape_cast %reduce_sum3A_75 : vector<1xf32> to vector<1x1x1xf32>
    %reduce_sum3A_77 = vector.extract %reduce_sum3A_76[0, 0, 0] : f32 from vector<1x1x1xf32>
    %slice3A_78 = vector.extract_strided_slice %get3A_1 {offsets = [0, 4], sizes = [1, 1], strides = [1, 1]} : vector<1x8xf32> to vector<1x1xf32>
    %squeeze3A_79 = vector.extract %slice3A_78[0, 0] : f32 from vector<1x1xf32>
    %mul3A_80 = arith.mulf %squeeze3A_79, %reduce_sum3A_77 : f32
    %add3A_81 = vector.broadcast %mul3A_80 : f32 to vector<1x1xf32>
    %add3A_82 = arith.addf %add3A_65, %add3A_81 : vector<1x1xf32>
    %shift_right_arithmetic3A_83 = arith.constant 5 : i32
    %shift_right_arithmetic3A_84 = vector.broadcast %shift_right_arithmetic3A_83 : i32 to vector<1x2048xi32>
    %shift_right_arithmetic3A_85 = arith.shrsi %get3A_4, %shift_right_arithmetic3A_84 : vector<1x2048xi32>
    %and3A_86 = arith.constant 1 : i32
    %and3A_87 = vector.broadcast %and3A_86 : i32 to vector<1x2048xi32>
    %and3A_88 = arith.andi %shift_right_arithmetic3A_85, %and3A_87 : vector<1x2048xi32>
    %convert_element_type3A_89 = arith.sitofp %and3A_88 : vector<1x2048xi32> to vector<1x2048xf32>
    %reduce_sum3A_90 = vector.shape_cast %convert_element_type3A_89 : vector<1x2048xf32> to vector<1x1x2048xf32>
    %reduce_sum3A_91 = arith.constant dense<0.000000e+00> : vector<1xf32>
    %reduce_sum3A_92 = vector.multi_reduction <add>, %reduce_sum3A_90, %reduce_sum3A_91 [1, 2] : vector<1x1x2048xf32> to vector<1xf32>
    %reduce_sum3A_93 = vector.shape_cast %reduce_sum3A_92 : vector<1xf32> to vector<1x1x1xf32>
    %reduce_sum3A_94 = vector.extract %reduce_sum3A_93[0, 0, 0] : f32 from vector<1x1x1xf32>
    %slice3A_95 = vector.extract_strided_slice %get3A_1 {offsets = [0, 5], sizes = [1, 1], strides = [1, 1]} : vector<1x8xf32> to vector<1x1xf32>
    %squeeze3A_96 = vector.extract %slice3A_95[0, 0] : f32 from vector<1x1xf32>
    %mul3A_97 = arith.mulf %squeeze3A_96, %reduce_sum3A_94 : f32
    %add3A_98 = vector.broadcast %mul3A_97 : f32 to vector<1x1xf32>
    %add3A_99 = arith.addf %add3A_82, %add3A_98 : vector<1x1xf32>
    %shift_right_arithmetic3A_100 = arith.constant 6 : i32
    %shift_right_arithmetic3A_101 = vector.broadcast %shift_right_arithmetic3A_100 : i32 to vector<1x2048xi32>
    %shift_right_arithmetic3A_102 = arith.shrsi %get3A_4, %shift_right_arithmetic3A_101 : vector<1x2048xi32>
    %and3A_103 = arith.constant 1 : i32
    %and3A_104 = vector.broadcast %and3A_103 : i32 to vector<1x2048xi32>
    %and3A_105 = arith.andi %shift_right_arithmetic3A_102, %and3A_104 : vector<1x2048xi32>
    %convert_element_type3A_106 = arith.sitofp %and3A_105 : vector<1x2048xi32> to vector<1x2048xf32>
    %reduce_sum3A_107 = vector.shape_cast %convert_element_type3A_106 : vector<1x2048xf32> to vector<1x1x2048xf32>
    %reduce_sum3A_108 = arith.constant dense<0.000000e+00> : vector<1xf32>
    %reduce_sum3A_109 = vector.multi_reduction <add>, %reduce_sum3A_107, %reduce_sum3A_108 [1, 2] : vector<1x1x2048xf32> to vector<1xf32>
    %reduce_sum3A_110 = vector.shape_cast %reduce_sum3A_109 : vector<1xf32> to vector<1x1x1xf32>
    %reduce_sum3A_111 = vector.extract %reduce_sum3A_110[0, 0, 0] : f32 from vector<1x1x1xf32>
    %slice3A_112 = vector.extract_strided_slice %get3A_1 {offsets = [0, 6], sizes = [1, 1], strides = [1, 1]} : vector<1x8xf32> to vector<1x1xf32>
    %squeeze3A_113 = vector.extract %slice3A_112[0, 0] : f32 from vector<1x1xf32>
    %mul3A_114 = arith.mulf %squeeze3A_113, %reduce_sum3A_111 : f32
    %add3A_115 = vector.broadcast %mul3A_114 : f32 to vector<1x1xf32>
    %add3A_116 = arith.addf %add3A_99, %add3A_115 : vector<1x1xf32>
    %shift_right_arithmetic3A_117 = arith.constant 7 : i32
    %shift_right_arithmetic3A_118 = vector.broadcast %shift_right_arithmetic3A_117 : i32 to vector<1x2048xi32>
    %shift_right_arithmetic3A_119 = arith.shrsi %get3A_4, %shift_right_arithmetic3A_118 : vector<1x2048xi32>
    %and3A_120 = arith.constant 1 : i32
    %and3A_121 = vector.broadcast %and3A_120 : i32 to vector<1x2048xi32>
    %and3A_122 = arith.andi %shift_right_arithmetic3A_119, %and3A_121 : vector<1x2048xi32>
    %convert_element_type3A_123 = arith.sitofp %and3A_122 : vector<1x2048xi32> to vector<1x2048xf32>
    %reduce_sum3A_124 = vector.shape_cast %convert_element_type3A_123 : vector<1x2048xf32> to vector<1x1x2048xf32>
    %reduce_sum3A_125 = arith.constant dense<0.000000e+00> : vector<1xf32>
    %reduce_sum3A_126 = vector.multi_reduction <add>, %reduce_sum3A_124, %reduce_sum3A_125 [1, 2] : vector<1x1x2048xf32> to vector<1xf32>
    %reduce_sum3A_127 = vector.shape_cast %reduce_sum3A_126 : vector<1xf32> to vector<1x1x1xf32>
    %reduce_sum3A_128 = vector.extract %reduce_sum3A_127[0, 0, 0] : f32 from vector<1x1x1xf32>
    %slice3A_129 = vector.extract_strided_slice %get3A_1 {offsets = [0, 7], sizes = [1, 1], strides = [1, 1]} : vector<1x8xf32> to vector<1x1xf32>
    %squeeze3A_130 = vector.extract %slice3A_129[0, 0] : f32 from vector<1x1xf32>
    %mul3A_131 = arith.mulf %squeeze3A_130, %reduce_sum3A_128 : f32
    %add3A_132 = vector.broadcast %mul3A_131 : f32 to vector<1x1xf32>
    %add3A_133 = arith.addf %add3A_116, %add3A_132 : vector<1x1xf32>
    %mul3A_134 = arith.constant 8.000000e+00 : f32
    %mul3A_135 = vector.broadcast %mul3A_134 : f32 to vector<1x1xf32>
    %mul3A_136 = arith.mulf %mul3A_135, %add3A_133 : vector<1x1xf32>
    %mul3A_137 = arith.constant 2.38418579E-7 : f32
    %mul3A_138 = vector.broadcast %mul3A_137 : f32 to vector<1x1xf32>
    %mul3A_139 = arith.mulf %mul3A_136, %mul3A_138 : vector<1x1xf32>
    %reduce_sum3A_140 = vector.shape_cast %get3A_1 : vector<1x8xf32> to vector<1x1x8xf32>
    %reduce_sum3A_141 = arith.constant dense<0.000000e+00> : vector<1xf32>
    %reduce_sum3A_142 = vector.multi_reduction <add>, %reduce_sum3A_140, %reduce_sum3A_141 [1, 2] : vector<1x1x8xf32> to vector<1xf32>
    %reduce_sum3A_143 = vector.shape_cast %reduce_sum3A_142 : vector<1xf32> to vector<1x1x1xf32>
    %reduce_sum3A_144 = vector.extract %reduce_sum3A_143[0, 0, 0] : f32 from vector<1x1x1xf32>
    %mul3A_145 = arith.constant 1.250000e-01 : f32
    %mul3A_146 = arith.mulf %reduce_sum3A_144, %mul3A_145 : f32
    %sub3A = vector.broadcast %mul3A_146 : f32 to vector<1x8xf32>
    %sub3A_147 = arith.subf %get3A_1, %sub3A : vector<1x8xf32>
    %integer_pow3A = arith.mulf %sub3A_147, %sub3A_147 : vector<1x8xf32>
    %reduce_sum3A_148 = vector.shape_cast %integer_pow3A : vector<1x8xf32> to vector<1x1x8xf32>
    %reduce_sum3A_149 = arith.constant dense<0.000000e+00> : vector<1xf32>
    %reduce_sum3A_150 = vector.multi_reduction <add>, %reduce_sum3A_148, %reduce_sum3A_149 [1, 2] : vector<1x1x8xf32> to vector<1xf32>
    %reduce_sum3A_151 = vector.shape_cast %reduce_sum3A_150 : vector<1xf32> to vector<1x1x1xf32>
    %reduce_sum3A_152 = vector.extract %reduce_sum3A_151[0, 0, 0] : f32 from vector<1x1x1xf32>
    %mul3A_153 = arith.constant 0.142857149 : f32
    %mul3A_154 = arith.mulf %reduce_sum3A_152, %mul3A_153 : f32
    %mul3A_155 = arith.constant 0.00999999977 : f32
    %mul3A_156 = vector.broadcast %mul3A_155 : f32 to vector<1x1xf32>
    %mul3A_157 = arith.mulf %mul3A_156, %mul3A_139 : vector<1x1xf32>
    %div3A = arith.divf %mul3A_154, %mul3A_146 : f32
    %mul3A_158 = arith.constant 0.00999999977 : f32
    %mul3A_159 = arith.mulf %mul3A_158, %div3A : f32
    %add3A_160 = vector.broadcast %mul3A_159 : f32 to vector<1x1xf32>
    %add3A_161 = arith.addf %mul3A_157, %add3A_160 : vector<1x1xf32>
    %swap3A = arith.constant 0 : index
    %swap3A_162 = arith.constant 0 : index
    %swap3A_163 = vector.load %arg2[%swap3A, %swap3A_162] : memref<1x1xf32, #tpu.memory_space<vmem>>, vector<1x1xf32>
    tpu.vector_store %arg2[%swap3A, %swap3A_162], %add3A_161 {strides = array<i32>} : memref<1x1xf32, #tpu.memory_space<vmem>>, vector<1x1xf32>,
    return
  }
}

</mosaic_0001>

<sc_bundles>
// kernel: sparse-core-data-format-call.1.cloned.1.call-start
scs
called_computation.1_lowered:
.L_overlay_start_0:
0x0: {  	s2 =	sld [smem:$0x3FD9]  }
0x1: {  	s3 =	sld [smem:$0x3FFE];
	_ =	sdelay $0x1  }
0x2: {  	s1 =	srdreg.scid  }
0x3: {  	s0 =	sand.u32 $0x1, s1  }
0x4: {  	s16 =	sshll.u32 s0, $0xA;
	s2 =	sadd.s32 s3, s2  }
0x5: {  	s2 =	sadd.s32 s2, s16  }
0x6: {  	[smem:$0x3FA3] =	sst s2  }
0x7: {  	_ = 	snop  }
0x8: {  	s2 =	sld [smem:$0x3FD0];
	_ =	sdelay $0x2  }
0x9: {  	s17 =	simm.s32 $0xB;
	s4 =	simm.s32 $0x10  }
0xa: {  	[smem:s4], [sflag:s17] =	dma.local [hbm:s2], $0x1  }
0xb: {  	_ =	swait.eq [sflag:s17], $0x1  }
0xc: {  	[sflag:s17] =	ssyncset.done $0x0  }
0xd: {  	[sflag:s17] =	ssyncadd.s32 $0xFFFFFFFF  }
0xe: {  	s18 =	sld [smem:$0x10];
	(tm) =	ssettm $0x1  }
0xf: {  	s19 =	sld [smem:$0x3FFB];
	_ =	sdelay $0x3  }
0x10: {  	_ =	strace s19  }
0x11: {  	s2 =	sld [smem:$0x3FFC];
	_ =	sdelay $0x3  }
0x12: {  	_ =	strace s2  }
0x13: {  	s2 =	sld [smem:$0x3FFD];
	_ =	sdelay $0x3  }
0x14: {  	_ =	strace s2  }
0x15: {  	_ =	strace $0x8FFFFFFF  }
0x16: {  	s20 =	sld [smem:$0x3FDB];
	_ =	sdelay $0x1  }
0x17: {  	s21 =	simm.s32 $_scs_section_size  }
0x18: {  	s5 =	simm.s32 $_size__tile_overlayer_lowered;
	s6 =	simm.s32 $_tile_overlayer_lowered  }
0x19: {  	s7 =	simm.s32 $0x1BFF;
	s22 =	sshll.u32 s6, $0x1;
	s4 =	sadd.s32 s21, s20  }
0x1a: {  	s23 =	simm.s32 $0x0;
	s5 =	sshll.u32 s5, $0x1;
	s6 =	sadd.s32 s22, s4  }
0x1b: {  	[timem:s23], [sflag:s7] =	dma.local [hbm:s6], s5  }
0x1c: {  	_ =	swait.ge [sflag:s7], s5  }
0x1d: {  	s5 =	ssub.s32 $0x0, s5;
	[sflag:s7] =	ssyncset.done $0x0  }
0x1e: {  	[sflag:s7] =	ssyncadd.s32 s5;
	_ =	sdelay $0x1  }
0x1f: {  	s24 =	simm.s32 $0x1B8B  }
0x20: {  	_ =	swait.ge [sflag:s24], $0x1  }
0x21: {  	[sflag:s24] =	ssyncset.done $0x0  }
0x22: {  	[sflag:s24] =	ssyncadd.s32 $0xFFFFFFFF  }
0x23: {  	s5 =	sld [smem:$0x0]  }
0x24: {  	s6 =	sand.u32 $0xFFFFFFFE, s1  }
0x25: {  	p0 =	sne.s32 s1, s6  }
0x26: {  	s6 =	sshll.u32 @p0 s6, $0xE  }
0x27: {  	s6 =	sadd.s32 @p0 $0x11B8D, s6;
	s7 =	sshll.u32 @p0 s5, $0x11  }
0x28: {  	s6 =	sor.u32 @p0 s7, s6  }
0x29: {  	[sflag:s6] =	ssyncadd.remote.s32 @p0 $0x1;
	_ =	sdelay $0x1  }
0x2a: {  	s6 =	simm.s32 @p0 $0x1B8D  }
0x2b: {  	_ =	swait.eq @p0 [sflag:s6], $0x1  }
0x2c: {  	[sflag:s6] =	ssyncadd.s32 @p0 $0xFFFFFFFF  }
0x2d: {  	s7 =	sshll.u32 @!p0 s1, $0xE  }
0x2e: {  	s7 =	sor.u32 @!p0 $0x4000, s7;
	s6 =	simm.s32 @!p0 $0x1B8D  }
0x2f: {  	s5 =	sshll.u32 @!p0 s5, $0x11;
	s7 =	sadd.s32 @!p0 $0x11B8D, s7;
	_ =	swait.eq @!p0 [sflag:s6], $0x1  }
0x30: {  	s5 =	sor.u32 @!p0 s5, s7;
	[sflag:s6] =	ssyncadd.s32 @!p0 $0xFFFFFFFF  }
0x31: {  	s26 =	simm.s32 $0x1B8E;
	s25 =	sld [smem:$0x3FFE];
	[sflag:s5] =	ssyncadd.remote.s32 @!p0 $0x1  }
0x32: {  	s27 =	simm.s32 $execute0_lowered;
	[smem:$0x3FD2] =	sst s26  }
0x33: {  	s6 =	sshll.u32 s27, $0x1;
	_ =	strace $0x80000049;
	[dreg:$0x1] =	wrdreg $0xFFFFFFFF  }
0x34: {  	s28 =	simm.s32 $_size_execute0_lowered;
	s4 =	sadd.s32 s4, s6;
	[dreg:$0x0] =	wrdreg $0x0  }
0x35: {  	s6 =	sshll.u32 s28, $0x1;
	[dreg:$0x2] =	wrdreg s4  }
0x36: {  	[dreg:$0x3] =	wrdreg s6  }
0x37: {  	[dreg:$0x4] =	wrdreg $0xC0  }
0x38: {  	_ =	task [dreg:s23], $0x5FFFF  }
0x39: {  	[dreg:$0x1] =	wrdreg $0xFFFFFFFF  }
0x3a: {  	[dreg:$0x0] =	wrdreg $0x60  }
0x3b: {  	[dreg:$0x2] =	wrdreg s25  }
0x3c: {  	[dreg:$0x3] =	wrdreg s18  }
0x3d: {  	[dreg:$0x4] =	wrdreg $0xA  }
0x3e: {  	_ =	task.clear_ibuf [dreg:s23], $0x5FFFF;
	_ =	strace $0x90000049  }
0x3f: {  	s29 =	simm.s32 $0xA;
	_ =	strace $0x8000004B  }
0x40: {  	_ =	swait.ge [sflag:s29], $0x1  }
0x41: {  	[sflag:s29] =	ssyncadd.s32 $0xFFFFFFFF  }
0x42: {  	_ =	strace $0x9000004B  }
0x43: {  	_ =	sfence  }
0x44: {  	s30 =	sld [smem:$0x0];
	_ =	sdelay $0x2  }
0x45: {  	s31 =	sshll.u32 s1, $0xD;
	s1 =	sshrl.u32 s1, $0x2  }
0x46: {  	s4 =	sand.u32 $0x4000, s31;
	s1 =	sadd.s32 s1, s30  }
0x47: {  	s0 =	sor.u32 s4, s0;
	s1 =	sshll.u32 s1, $0x11  }
0x48: {  	s0 =	sor.u32 s1, s0  }
0x49: {  	s0 =	sadd.s32 $0x8F2B, s0  }
0x4a: {  	[sflag:s0] =	ssyncadd.remote.s32 $0x1  }
0x4b: {  	_ =	sfence.sel $0xFFFF  }
0x4c: {  	[dreg:$0x0] =	wrdreg $0xFFFFFFFF;
	(pc) =	sbr.abs _section_cstart, $3  }
0x4d: {  	[dreg:$0x1] =	wrdreg $0xFFFFFFFF  }
0x4e: {  	_ =	task.clear_ibuf [dreg:s23], $0x2FFFF;
	_ =	strace $0x9FFFFFFF  }
0x4f: {  	(tm) =	ssettm $0x7FFFFFFF  }
tec
execute0_lowered:
.L_overlay_start_1:
0x0: {  	(tag) =	ssettag $0x1  }
0x1: {  	s0 =	stileid.u32  }
0x2: {  	s1 =	srdreg.scid;
	s5 =	rddreg [dreg:$0x0];
	s31 =	simm.s32 $0x2  }
0x3: {  	s15 =	simm.s32 $0x0;
	s2 =	sshll.u32 s0, $0x6;
	s1 =	sshll.u32 s1, $0xA  }
0x4: {  	s9 =	simm.s32 $0x1000;
	s10 =	simm.s32 $0x0;
	s1 =	sor.u32 s2, s1  }
0x5: {  	s16 =	simm.s32 $0x0;
	s17 =	simm.s32 $0x0;
	s1 =	sand.u32 $0x780, s1  }
0x6: {  	s11 =	simm.s32 $0x0;
	s2 =	sand.u32 $0x1, s0;
	s3 =	ssub.s32 $0x800, s1  }
0x7: {  	s14 =	simm.s32 $0x0;
	s4 =	ssub.s32 $0x2, s2;
	s6 =	sand.u32 $0x780, s3  }
0x8: {  	s7 =	sshrl.u32 s4, $0x1;
	p0 =	sne.s32 s6, $0x0;
	s6 =	simm.s32 $0x1  }
0x9: {  	s8 =	sand.u32 $0x1, s4;
	s3 =	sshrl.u32 s3, $0xB;
	s6 =	simm.s32 @!p0 $0x0  }
.Ltmp0:
0xa: {  	s7 =	sadd.s32 s8, s7;
	s6 =	sadd.s32 s6, s3;
	(pc) =	sbr.rel .LBB1_1-.Ltmp0, $4  }
0xb: {  	s5 =	sadd.s32 $0x185800, s5;
	s4 =	rddreg [dreg:$0x1];
	s7 =	smul.u32 s6, s7  }
0xc: {  	s3 =	rddreg [dreg:$0x2];
	_ =	strace $0x8000004A;
	s6 =	simm.s32 $0x1  }
0xd: {  	s13 =	smov.u32 s2;
	[sflag:s6] =	ssyncpa.u1 $0x0;
	s7 =	sshll.u32 s7, $0x4  }
0xe: {  	s12 =	smov.u32 s1;
	[sflag:s31] =	ssyncpa.u1 $0x0;
	s8 =	sor.u32 $0x1, s7  }
.LBB1_4:
0xf: {  	_ =	sdelay $0x3  }
0x10: {  	[tilespmem:v0+s20+$0xFFFFFFA0 ss:$0x1] =	vst.idx.msk $0xffff, v6  }
0x11: {  	v56 =	vld.idx.msk [tilespmem:v1+s19+$0x30 ss:$0x1], $0xffff;
	[tilespmem:v0+s20+$0xFFFFFFB0 ss:$0x1] =	vst.idx.msk $0xffff, v4  }
0x12: {  	v57 =	vld.idx.msk [tilespmem:v1+s19+$0xFFFFFFC0 ss:$0x1], $0xffff;
	[tilespmem:v0+s20+$0xFFFFFFC0 ss:$0x1] =	vst.idx.msk $0xffff, v2  }
0x13: {  	v58 =	vld.idx.msk [tilespmem:v1+s19+$0xFFFFFFD0 ss:$0x1], $0xffff;
	[tilespmem:v0+s20+$0xFFFFFFD0 ss:$0x1] =	vst.idx.msk $0xffff, v3  }
0x14: {  	v59 =	vld.idx.msk [tilespmem:v1+s19+$0xFFFFFFE0 ss:$0x1], $0xffff;
	[tilespmem:v0+s20+$0xFFFFFFE0 ss:$0x1] =	vst.idx.msk $0xffff, v5  }
0x15: {  	v60 =	vld.idx.msk [tilespmem:v1+s19+$0xFFFFFFF0 ss:$0x1], $0xffff;
	[tilespmem:v0+s20+$0xFFFFFFF0 ss:$0x1] =	vst.idx.msk $0xffff, v7  }
0x16: {  	v61 =	vld.idx.msk [tilespmem:v1+s19+$0x0 ss:$0x1], $0xffff;
	[tilespmem:v0+s19+$0x0 ss:$0x1] =	vst.idx.msk $0xffff, v56  }
0x17: {  	v62 =	vld.idx.msk [tilespmem:v1+s19+$0x10 ss:$0x1], $0xffff;
	[tilespmem:v0+s19+$0xFFFFFF90 ss:$0x1] =	vst.idx.msk $0xffff, v57  }
0x18: {  	s17 =	sshll.u32 s17, $0x7;
	v63 =	vld.idx.msk [tilespmem:v1+s19+$0x20 ss:$0x1], $0xffff;
	s28 =	sand.u32 $0x78, s15;
	s21 =	sshll.u32 s15, $0x1;
	[tilespmem:v0+s19+$0xFFFFFFA0 ss:$0x1] =	vst.idx.msk $0xffff, v58  }
0x19: {  	s16 =	sshll.u32 s16, $0x9;
	s30 =	sshrl.u32 s15, $0x2;
	s17 =	sand.u32 $0x80, s17;
	[tilespmem:v0+s19+$0xFFFFFFB0 ss:$0x1] =	vst.idx.msk $0xffff, v59  }
0x1a: {  	s31 =	sand.u32 $0x7, s15;
	s29 =	sand.u32 $0x700, s21;
	s17 =	sor.u32 s17, s28;
	[tilespmem:v0+s19+$0xFFFFFFC0 ss:$0x1] =	vst.idx.msk $0xffff, v60  }
0x1b: {  	s20 =	sand.u32 $0x100, s30;
	s16 =	sadd.s32 s4, s16;
	s17 =	sor.u32 s29, s17;
	[tilespmem:v0+s19+$0xFFFFFFD0 ss:$0x1] =	vst.idx.msk $0xffff, v61  }
0x1c: {  	s15 =	sshll.u32 s31, $0x12;
	s16 =	sadd.s32 s20, s16;
	s17 =	sshrl.u32 s17, $0x3;
	[tilespmem:v0+s19+$0xFFFFFFE0 ss:$0x1] =	vst.idx.msk $0xffff, v62  }
0x1d: {  	s15 =	sor.u32 $0x80, s15;
	[tilespmem:v0+s19+$0xFFFFFFF0 ss:$0x1] =	vst.idx.msk $0xffff, v63;
	s16 =	sadd.s32 s17, s16  }
0x1e: {  	[hbm4b:s16+s15] =	stream.strided.scatter [tilespmem:s18], [sflag:$0x2], $0x4000, s9, s15, $0x38;
	[tilespmem:$0x10000] =	vst v63  }
.LBB1_5:
0x1f: {  	s18 =	sadd.s32 $0x80, s11  }
0x20: {  	s15 =	sadd.s32 $0x800, s12;
	s19 =	smov.u32 s12;
	p1 =	sgt.s32 s18, $0x7FF  }
0x21: {  	s19 =	smov.u32 @p1 s15  }
0x22: {  	s21 =	smov.u32 s13;
	s15 =	sadd.s32 $0x2, s13;
	p2 =	sgt.s32 s19, $0x7FF  }
0x23: {  	s21 =	smov.u32 @p2 s15  }
0x24: {  	s18 =	simm.s32 @p1 $0x0;
	p1 =	sgt.s32 s21, $0x1  }
0x25: {  	p0 =	slt.u32 s14, $0x2;
	s21 =	smov.u32 @p1 s2;
	p1 =	sne.s32 s14, s8  }
.Ltmp1:
0x26: {  	s20 =	simm.s32 @!p0 $0x2;
	(pc) =	sbr.rel @!p1 .LBB1_6-.Ltmp1, $4  }
0x27: {  	s16 =	smov.u32 s12;
	s17 =	smov.u32 s13;
	_ =	swait.ge @!p0 [sflag:s20], $0x4000  }
0x28: {  	s10 =	sadd.s32 $0x4000, s10;
	[sflag:s20] =	ssyncset.done @!p0 $0x0;
	s19 =	smov.u32 @p2 s1  }
0x29: {  	s15 =	smov.u32 s11;
	[sflag:s20] =	ssyncadd.s32 @!p0 $0xFFFFC000;
	s11 =	smov.u32 s18  }
0x2a: {  	s12 =	smov.u32 s19;
	s14 =	sadd.s32 $0x1, s14;
	s13 =	smov.u32 s21  }
.LBB1_1:
0x2b: {  	p0 =	sge.u32 s14, s7;
	s31 =	sadd.s32 $0xFFFFFFFF, s14  }
0x2c: {  	s18 =	sxor.u32 @!p0 $0xFFFFFFFF, s14;
	s19 =	sand.u32 @!p0 $0x78, s11;
	s20 =	sshll.u32 @!p0 s12, $0xB  }
0x2d: {  	s21 =	sshll.u32 @!p0 s12, $0x7;
	s22 =	sshll.u32 @!p0 s11, $0x3;
	s18 =	sshll.u32 @!p0 s18, $0xE  }
0x2e: {  	s20 =	sand.u32 @!p0 $0x3FC000, s20;
	s21 =	sand.u32 @!p0 $0x380, s21;
	s18 =	sand.u32 @!p0 $0x4000, s18  }
0x2f: {  	s20 =	sadd.s32 @!p0 s20, s22;
	s22 =	sand.u32 @!p0 $0x400, s22;
	s19 =	sor.u32 @!p0 s21, s19  }
0x30: {  	s21 =	sshll.u32 @!p0 s13, $0x13;
	s19 =	sor.u32 @!p0 s22, s19;
	s20 =	sshrl.u32 @!p0 s20, $0x3  }
0x31: {  	s21 =	sadd.s32 @!p0 s5, s21;
	s22 =	sand.u32 @!p0 $0x7, s11;
	s20 =	sand.u32 @!p0 $0x7FF00, s20  }
0x32: {  	s19 =	sshrl.u32 @!p0 s19, $0x3;
	s20 =	sadd.s32 @!p0 s20, s21;
	s21 =	sshll.u32 @!p0 s22, $0x12  }
0x33: {  	s19 =	sadd.s32 @!p0 s19, s20;
	s20 =	sor.u32 @!p0 $0x400, s21;
	s21 =	simm.s32 @!p0 $0x4000  }
0x34: {  	[tilespmem:s18], [sflag:$0x1] =	stream.strided.gather @!p0 [hbm4b:s19+s20], $0x4000, s21, s20, $0x38;
	[tilespmem:$0x10000] =	vst v63  }
0x35: {  	p0 =	sge.u32 s31, s7  }
.Ltmp2:
0x36: {  	_ = 	snop;
	(pc) =	sbr.rel @p0 .LBB1_5-.Ltmp2, $1  }
0x37: {  	_ =	sdelay $0x3  }
0x38: {  	s18 =	sand.u32 $0x4000, s10  }
0x39: {  	s19 =	sor.u32 $0x40, s18  }
0x3a: {  	v1 =	vmov s19;
	_ =	sdelay $0x1  }
0x3b: {  	_ =	swait.ge [sflag:s6], $0x4000  }
0x3c: {  	[sflag:s6] =	ssyncset.done $0x0  }
0x3d: {  	s20 =	simm.s32 $0x0;
	[sflag:s6] =	ssyncadd.s32 $0xFFFFC000  }
0x3e: {  	s18 =	sor.u32 $0x8070, s18;
	v7 =	vld.idx.msk [tilespmem:v1+s20+$0x30 ss:$0x1], $0xffff  }
0x3f: {  	v0 =	vmov s18;
	v8 =	vld.idx.msk [tilespmem:v1+s20+$0xFFFFFFC0 ss:$0x1], $0xffff  }
0x40: {  	v6 =	vld.idx.msk [tilespmem:v1+s20+$0xFFFFFFD0 ss:$0x1], $0xffff  }
0x41: {  	v4 =	vld.idx.msk [tilespmem:v1+s20+$0xFFFFFFE0 ss:$0x1], $0xffff  }
0x42: {  	v2 =	vld.idx.msk [tilespmem:v1+s20+$0xFFFFFFF0 ss:$0x1], $0xffff  }
0x43: {  	s31 =	sshll.u32 s14, $0xE;
	v3 =	vld.idx.msk [tilespmem:v1+s20+$0x0 ss:$0x1], $0xffff  }
0x44: {  	s18 =	sand.u32 $0x4000, s31;
	v5 =	vld.idx.msk [tilespmem:v1+s20+$0x10 ss:$0x1], $0xffff;
	[tilespmem:v0+s20+$0x0 ss:$0x1] =	vst.idx.msk $0xffff, v7  }
0x45: {  	s21 =	simm.s32 $0x400;
	s19 =	simm.s32 $0x80;
	s18 =	sor.u32 $0x8000, s18;
	[tilespmem:v0+s20+$0xFFFFFF90 ss:$0x1] =	vst.idx.msk $0xffff, v8;
	v7 =	vld.idx.msk [tilespmem:v1+s20+$0x20 ss:$0x1], $0xffff  }
.LBB1_3:
0x46: {  	p0 =	sne.s32 s21, $0xFE00;
	v8 =	vld.idx.msk [tilespmem:v1+s19+$0x30 ss:$0x1], $0xffff;
	[tilespmem:v0+s20+$0xFFFFFFA0 ss:$0x1] =	vst.idx.msk $0xffff, v6  }
0x47: {  	v9 =	vld.idx.msk [tilespmem:v1+s19+$0xFFFFFFC0 ss:$0x1], $0xffff;
	[tilespmem:v0+s20+$0xFFFFFFB0 ss:$0x1] =	vst.idx.msk $0xffff, v4  }
0x48: {  	v6 =	vld.idx.msk [tilespmem:v1+s19+$0xFFFFFFD0 ss:$0x1], $0xffff;
	[tilespmem:v0+s20+$0xFFFFFFC0 ss:$0x1] =	vst.idx.msk $0xffff, v2  }
.Ltmp3:
0x49: {  	v4 =	vld.idx.msk [tilespmem:v1+s19+$0xFFFFFFE0 ss:$0x1], $0xffff;
	[tilespmem:v0+s20+$0xFFFFFFD0 ss:$0x1] =	vst.idx.msk $0xffff, v3;
	(pc) =	sbr.rel @p0 .LBB1_3-.Ltmp3, $4  }
0x4a: {  	v2 =	vld.idx.msk [tilespmem:v1+s19+$0xFFFFFFF0 ss:$0x1], $0xffff;
	[tilespmem:v0+s20+$0xFFFFFFE0 ss:$0x1] =	vst.idx.msk $0xffff, v5  }
0x4b: {  	v3 =	vld.idx.msk [tilespmem:v1+s19+$0x0 ss:$0x1], $0xffff;
	[tilespmem:v0+s20+$0xFFFFFFF0 ss:$0x1] =	vst.idx.msk $0xffff, v7;
	s20 =	smov.u32 s19  }
0x4c: {  	v5 =	vld.idx.msk [tilespmem:v1+s20+$0x10 ss:$0x1], $0xffff;
	[tilespmem:v0+s20+$0x0 ss:$0x1] =	vst.idx.msk $0xffff, v8  }
0x4d: {  	s19 =	sshra.s32 s21, $0x2;
	s21 =	sadd.s32 $0x200, s21;
	[tilespmem:v0+s20+$0xFFFFFF90 ss:$0x1] =	vst.idx.msk $0xffff, v9;
	v7 =	vld.idx.msk [tilespmem:v1+s20+$0x20 ss:$0x1], $0xffff  }
.Ltmp4:
0x4e: {  	_ = 	snop;
	(pc) =	sbr.rel .LBB1_4-.Ltmp4, $1  }
0x4f: {  	_ =	sdelay $0x3  }
.LBB1_6:
0x50: {  	_ =	sfence.sel $0x180000  }
0x51: {  	s1 =	simm.s32 $0x1;
	[bflag:$0x0] =	sbarrier.arrive $0xFFFF  }
0x52: {  	s31 =	simm.s32 $0x2;
	[sflag:s1] =	ssyncpa.u1 $0x1  }
0x53: {  	[sflag:s31] =	ssyncpa.u1 $0x1  }
0x54: {  	p0 =	sne.s32 s0, $0x0;
	_ =	strace $0x9000004A  }
0x55: {  	s0 =	sadd.s32 @!p0 $0x100000, s3;
	[bflag:$0x2] =	sbarrier.arrive $0xFFFF  }
0x56: {  	[sflag:s0] =	ssyncadd.tile.s32 @!p0 $0x1;
	_ =	shalt  }
.Lfunc_end1:
_tile_overlayer_lowered:
.L_overlay_start_2:
0x57: {  	(tag) =	ssettag $0x2  }
0x58: {  	s0 =	rddreg [dreg:$0x0];
	s2 =	stileid.u32  }
0x59: {  	s1 =	rddreg [dreg:$0x1];
	p0 =	sne.s32 s2, $0x0  }
0x5a: {  	s3 =	rddreg [dreg:$0x2];
	[bflag:$0x3] =	sbarrier.arrive $0xFFFF;
	s2 =	simm.s32 @!p0 $0x1C01  }
0x5b: {  	[timem:s3], [sflag:s2] =	dma.local @!p0 [hbm:s0], s1  }
0x5c: {  	s0 =	simm.s32 @!p0 $0x1  }
0x5d: {  	_ =	swait.ge @!p0 [sflag:s0], s1  }
0x5e: {  	s1 =	ssub.s32 @!p0 $0x0, s1;
	[sflag:s0] =	ssyncset.done @!p0 $0x0  }
0x5f: {  	[sflag:s0] =	ssyncadd.s32 @!p0 s1  }
0x60: {  	[bflag:$0x3] =	sbarrier.arrive $0xFFFF  }
0x61: {  	_ =	shalt  }

// kernel: sparse-core-data-format-call.cloned.1.call-start
scs
called_computation_lowered:
.L_overlay_start_0:
0x0: {  	s2 =	sld [smem:$0x3FD9]  }
0x1: {  	s3 =	sld [smem:$0x3FFE];
	_ =	sdelay $0x1  }
0x2: {  	s1 =	srdreg.scid  }
0x3: {  	s0 =	sand.u32 $0x1, s1  }
0x4: {  	s15 =	sshll.u32 s0, $0xA;
	s2 =	sadd.s32 s3, s2  }
0x5: {  	s2 =	sadd.s32 s2, s15  }
0x6: {  	[smem:$0x3FA3] =	sst s2  }
0x7: {  	_ = 	snop  }
0x8: {  	s2 =	sld [smem:$0x3FD0];
	_ =	sdelay $0x2  }
0x9: {  	s16 =	simm.s32 $0xB;
	s4 =	simm.s32 $0x10  }
0xa: {  	[smem:s4], [sflag:s16] =	dma.local [hbm:s2], $0x1  }
0xb: {  	_ =	swait.eq [sflag:s16], $0x1  }
0xc: {  	[sflag:s16] =	ssyncset.done $0x0  }
0xd: {  	[sflag:s16] =	ssyncadd.s32 $0xFFFFFFFF  }
0xe: {  	s17 =	sld [smem:$0x11];
	(tm) =	ssettm $0x1  }
0xf: {  	s18 =	sld [smem:$0x3FFB];
	_ =	sdelay $0x3  }
0x10: {  	_ =	strace s18  }
0x11: {  	s3 =	sld [smem:$0x3FFC];
	_ =	sdelay $0x3  }
0x12: {  	_ =	strace s3  }
0x13: {  	s3 =	sld [smem:$0x3FFD];
	_ =	sdelay $0x3  }
0x14: {  	_ =	strace s3  }
0x15: {  	_ =	strace $0x8FFFFFFF  }
0x16: {  	s19 =	sld [smem:$0x3FDB];
	_ =	sdelay $0x1  }
0x17: {  	s20 =	simm.s32 $_scs_section_size  }
0x18: {  	s5 =	simm.s32 $_size__tile_overlayer_lowered;
	s6 =	simm.s32 $_tile_overlayer_lowered  }
0x19: {  	s23 =	simm.s32 $0x1BFF;
	s22 =	sshll.u32 s6, $0x1;
	s3 =	sadd.s32 s20, s19  }
0x1a: {  	s7 =	simm.s32 $0x0;
	s21 =	sshll.u32 s5, $0x1;
	s5 =	sadd.s32 s22, s3  }
0x1b: {  	[timem:s7], [sflag:s23] =	dma.local [hbm:s5], s21  }
0x1c: {  	_ =	swait.ge [sflag:s23], s21  }
0x1d: {  	s4 =	ssub.s32 $0x0, s21;
	[sflag:s23] =	ssyncset.done $0x0  }
0x1e: {  	[sflag:s23] =	ssyncadd.s32 s4;
	_ =	sdelay $0x1  }
0x1f: {  	s24 =	simm.s32 $0x1B8B  }
0x20: {  	_ =	swait.ge [sflag:s24], $0x1  }
0x21: {  	[sflag:s24] =	ssyncset.done $0x0  }
0x22: {  	s26 =	simm.s32 $0x1B8E;
	s25 =	sld [smem:$0x3FFE];
	[sflag:s24] =	ssyncadd.s32 $0xFFFFFFFF  }
0x23: {  	s27 =	simm.s32 $execute0_lowered;
	[smem:$0x3FD2] =	sst s26  }
0x24: {  	s5 =	sshll.u32 s27, $0x1;
	_ =	strace $0x80000046;
	[dreg:$0x1] =	wrdreg $0xFFFFFFFF  }
0x25: {  	s28 =	simm.s32 $_size_execute0_lowered;
	s3 =	sadd.s32 s3, s5;
	[dreg:$0x0] =	wrdreg $0x0  }
0x26: {  	s5 =	sshll.u32 s28, $0x1;
	[dreg:$0x2] =	wrdreg s3  }
0x27: {  	[dreg:$0x3] =	wrdreg s5  }
0x28: {  	[dreg:$0x4] =	wrdreg $0xC0  }
0x29: {  	_ =	task [dreg:s7], $0x5FFFF  }
0x2a: {  	[dreg:$0x1] =	wrdreg $0xFFFFFFFF  }
0x2b: {  	[dreg:$0x0] =	wrdreg $0x60  }
0x2c: {  	[dreg:$0x2] =	wrdreg s25  }
0x2d: {  	[dreg:$0x3] =	wrdreg s17  }
0x2e: {  	[dreg:$0x4] =	wrdreg $0x9  }
0x2f: {  	_ =	task.clear_ibuf [dreg:s7], $0x5FFFF;
	_ =	strace $0x90000046  }
0x30: {  	s29 =	simm.s32 $0x9;
	_ =	strace $0x80000048  }
0x31: {  	_ =	swait.ge [sflag:s29], $0x1  }
0x32: {  	[sflag:s29] =	ssyncadd.s32 $0xFFFFFFFF  }
0x33: {  	_ =	strace $0x90000048  }
0x34: {  	_ =	sfence  }
0x35: {  	s30 =	sld [smem:$0x0];
	_ =	sdelay $0x2  }
0x36: {  	s31 =	sshll.u32 s1, $0xD;
	s1 =	sshrl.u32 s1, $0x2  }
0x37: {  	s3 =	sand.u32 $0x4000, s31;
	s1 =	sadd.s32 s1, s30  }
0x38: {  	s0 =	sor.u32 s3, s0;
	s1 =	sshll.u32 s1, $0x11  }
0x39: {  	s0 =	sor.u32 s1, s0  }
0x3a: {  	s0 =	sadd.s32 $0x8F2B, s0  }
0x3b: {  	[sflag:s0] =	ssyncadd.remote.s32 $0x1  }
0x3c: {  	_ =	sfence.sel $0xFFFF  }
0x3d: {  	[dreg:$0x0] =	wrdreg $0xFFFFFFFF;
	(pc) =	sbr.abs _section_cstart, $3  }
0x3e: {  	[dreg:$0x1] =	wrdreg $0xFFFFFFFF  }
0x3f: {  	_ =	task.clear_ibuf [dreg:s7], $0x2FFFF;
	_ =	strace $0x9FFFFFFF  }
0x40: {  	(tm) =	ssettm $0x7FFFFFFF  }
0x41: {  	_ =	shalt  }
tec
execute0_lowered:
.L_overlay_start_1:
0x0: {  	(tag) =	ssettag $0x1  }
0x1: {  	s0 =	stileid.u32  }
0x2: {  	s1 =	srdreg.scid;
	s5 =	rddreg [dreg:$0x0];
	s31 =	simm.s32 $0x2  }
0x3: {  	s15 =	simm.s32 $0x0;
	s2 =	sshll.u32 s0, $0x6;
	s1 =	sshll.u32 s1, $0xA  }
0x4: {  	s9 =	simm.s32 $0x1000;
	s10 =	simm.s32 $0x0;
	s1 =	sor.u32 s2, s1  }
0x5: {  	s16 =	simm.s32 $0x0;
	s17 =	simm.s32 $0x0;
	s1 =	sand.u32 $0x780, s1  }
0x6: {  	s11 =	simm.s32 $0x0;
	s2 =	sand.u32 $0x1, s0;
	s3 =	ssub.s32 $0x800, s1  }
0x7: {  	s14 =	simm.s32 $0x0;
	s4 =	ssub.s32 $0x2, s2;
	s6 =	sand.u32 $0x780, s3  }
0x8: {  	s7 =	sshrl.u32 s4, $0x1;
	p0 =	sne.s32 s6, $0x0;
	s6 =	simm.s32 $0x1  }
0x9: {  	s8 =	sand.u32 $0x1, s4;
	s3 =	sshrl.u32 s3, $0xB;
	s6 =	simm.s32 @!p0 $0x0  }
.Ltmp0:
0xa: {  	s7 =	sadd.s32 s8, s7;
	s6 =	sadd.s32 s6, s3;
	(pc) =	sbr.rel .LBB1_1-.Ltmp0, $4  }
0xb: {  	s5 =	sadd.s32 $0x85800, s5;
	s4 =	rddreg [dreg:$0x1];
	s7 =	smul.u32 s6, s7  }
0xc: {  	s3 =	rddreg [dreg:$0x2];
	_ =	strace $0x80000047;
	s6 =	simm.s32 $0x1  }
0xd: {  	s13 =	smov.u32 s2;
	[sflag:s6] =	ssyncpa.u1 $0x0;
	s7 =	sshll.u32 s7, $0x4  }
0xe: {  	s12 =	smov.u32 s1;
	[sflag:s31] =	ssyncpa.u1 $0x0;
	s8 =	sor.u32 $0x1, s7  }
.LBB1_4:
0xf: {  	_ =	sdelay $0x3  }
0x10: {  	[tilespmem:v0+s20+$0xFFFFFFA0 ss:$0x1] =	vst.idx.msk $0xffff, v6  }
0x11: {  	v56 =	vld.idx.msk [tilespmem:v1+s19+$0x30 ss:$0x1], $0xffff;
	[tilespmem:v0+s20+$0xFFFFFFB0 ss:$0x1] =	vst.idx.msk $0xffff, v4  }
0x12: {  	v57 =	vld.idx.msk [tilespmem:v1+s19+$0xFFFFFFC0 ss:$0x1], $0xffff;
	[tilespmem:v0+s20+$0xFFFFFFC0 ss:$0x1] =	vst.idx.msk $0xffff, v2  }
0x13: {  	v58 =	vld.idx.msk [tilespmem:v1+s19+$0xFFFFFFD0 ss:$0x1], $0xffff;
	[tilespmem:v0+s20+$0xFFFFFFD0 ss:$0x1] =	vst.idx.msk $0xffff, v3  }
0x14: {  	v59 =	vld.idx.msk [tilespmem:v1+s19+$0xFFFFFFE0 ss:$0x1], $0xffff;
	[tilespmem:v0+s20+$0xFFFFFFE0 ss:$0x1] =	vst.idx.msk $0xffff, v5  }
0x15: {  	v60 =	vld.idx.msk [tilespmem:v1+s19+$0xFFFFFFF0 ss:$0x1], $0xffff;
	[tilespmem:v0+s20+$0xFFFFFFF0 ss:$0x1] =	vst.idx.msk $0xffff, v7  }
0x16: {  	v61 =	vld.idx.msk [tilespmem:v1+s19+$0x0 ss:$0x1], $0xffff;
	[tilespmem:v0+s19+$0x0 ss:$0x1] =	vst.idx.msk $0xffff, v56  }
0x17: {  	v62 =	vld.idx.msk [tilespmem:v1+s19+$0x10 ss:$0x1], $0xffff;
	[tilespmem:v0+s19+$0xFFFFFF90 ss:$0x1] =	vst.idx.msk $0xffff, v57  }
0x18: {  	s17 =	sshll.u32 s17, $0x7;
	v63 =	vld.idx.msk [tilespmem:v1+s19+$0x20 ss:$0x1], $0xffff;
	s28 =	sand.u32 $0x78, s15;
	s21 =	sshll.u32 s15, $0x1;
	[tilespmem:v0+s19+$0xFFFFFFA0 ss:$0x1] =	vst.idx.msk $0xffff, v58  }
0x19: {  	s16 =	sshll.u32 s16, $0x9;
	s30 =	sshrl.u32 s15, $0x2;
	s17 =	sand.u32 $0x80, s17;
	[tilespmem:v0+s19+$0xFFFFFFB0 ss:$0x1] =	vst.idx.msk $0xffff, v59  }
0x1a: {  	s31 =	sand.u32 $0x7, s15;
	s29 =	sand.u32 $0x700, s21;
	s17 =	sor.u32 s17, s28;
	[tilespmem:v0+s19+$0xFFFFFFC0 ss:$0x1] =	vst.idx.msk $0xffff, v60  }
0x1b: {  	s20 =	sand.u32 $0x100, s30;
	s16 =	sadd.s32 s4, s16;
	s17 =	sor.u32 s29, s17;
	[tilespmem:v0+s19+$0xFFFFFFD0 ss:$0x1] =	vst.idx.msk $0xffff, v61  }
0x1c: {  	s15 =	sshll.u32 s31, $0x12;
	s16 =	sadd.s32 s20, s16;
	s17 =	sshrl.u32 s17, $0x3;
	[tilespmem:v0+s19+$0xFFFFFFE0 ss:$0x1] =	vst.idx.msk $0xffff, v62  }
0x1d: {  	s15 =	sor.u32 $0x80, s15;
	[tilespmem:v0+s19+$0xFFFFFFF0 ss:$0x1] =	vst.idx.msk $0xffff, v63;
	s16 =	sadd.s32 s17, s16  }
0x1e: {  	[hbm4b:s16+s15] =	stream.strided.scatter [tilespmem:s18], [sflag:$0x2], $0x4000, s9, s15, $0x38;
	[tilespmem:$0x10000] =	vst v63  }
.LBB1_5:
0x1f: {  	s18 =	sadd.s32 $0x80, s11  }
0x20: {  	s15 =	sadd.s32 $0x800, s12;
	s19 =	smov.u32 s12;
	p1 =	sgt.s32 s18, $0x7FF  }
0x21: {  	s19 =	smov.u32 @p1 s15  }
0x22: {  	s21 =	smov.u32 s13;
	s15 =	sadd.s32 $0x2, s13;
	p2 =	sgt.s32 s19, $0x7FF  }
0x23: {  	s21 =	smov.u32 @p2 s15  }
0x24: {  	s18 =	simm.s32 @p1 $0x0;
	p1 =	sgt.s32 s21, $0x1  }
0x25: {  	p0 =	slt.u32 s14, $0x2;
	s21 =	smov.u32 @p1 s2;
	p1 =	sne.s32 s14, s8  }
.Ltmp1:
0x26: {  	s20 =	simm.s32 @!p0 $0x2;
	(pc) =	sbr.rel @!p1 .LBB1_6-.Ltmp1, $4  }
0x27: {  	s16 =	smov.u32 s12;
	s17 =	smov.u32 s13;
	_ =	swait.ge @!p0 [sflag:s20], $0x4000  }
0x28: {  	s10 =	sadd.s32 $0x4000, s10;
	[sflag:s20] =	ssyncset.done @!p0 $0x0;
	s19 =	smov.u32 @p2 s1  }
0x29: {  	s15 =	smov.u32 s11;
	[sflag:s20] =	ssyncadd.s32 @!p0 $0xFFFFC000;
	s11 =	smov.u32 s18  }
0x2a: {  	s12 =	smov.u32 s19;
	s14 =	sadd.s32 $0x1, s14;
	s13 =	smov.u32 s21  }
.LBB1_1:
0x2b: {  	p0 =	sge.u32 s14, s7;
	s31 =	sadd.s32 $0xFFFFFFFF, s14  }
0x2c: {  	s18 =	sxor.u32 @!p0 $0xFFFFFFFF, s14;
	s19 =	sand.u32 @!p0 $0x78, s11;
	s20 =	sshll.u32 @!p0 s12, $0xB  }
0x2d: {  	s21 =	sshll.u32 @!p0 s12, $0x7;
	s22 =	sshll.u32 @!p0 s11, $0x3;
	s18 =	sshll.u32 @!p0 s18, $0xE  }
0x2e: {  	s20 =	sand.u32 @!p0 $0x3FC000, s20;
	s21 =	sand.u32 @!p0 $0x380, s21;
	s18 =	sand.u32 @!p0 $0x4000, s18  }
0x2f: {  	s20 =	sadd.s32 @!p0 s20, s22;
	s22 =	sand.u32 @!p0 $0x400, s22;
	s19 =	sor.u32 @!p0 s21, s19  }
0x30: {  	s21 =	sshll.u32 @!p0 s13, $0x13;
	s19 =	sor.u32 @!p0 s22, s19;
	s20 =	sshrl.u32 @!p0 s20, $0x3  }
0x31: {  	s21 =	sadd.s32 @!p0 s5, s21;
	s22 =	sand.u32 @!p0 $0x7, s11;
	s20 =	sand.u32 @!p0 $0x7FF00, s20  }
0x32: {  	s19 =	sshrl.u32 @!p0 s19, $0x3;
	s20 =	sadd.s32 @!p0 s20, s21;
	s21 =	sshll.u32 @!p0 s22, $0x12  }
0x33: {  	s19 =	sadd.s32 @!p0 s19, s20;
	s20 =	sor.u32 @!p0 $0x400, s21;
	s21 =	simm.s32 @!p0 $0x4000  }
0x34: {  	[tilespmem:s18], [sflag:$0x1] =	stream.strided.gather @!p0 [hbm4b:s19+s20], $0x4000, s21, s20, $0x38;
	[tilespmem:$0x10000] =	vst v63  }
0x35: {  	p0 =	sge.u32 s31, s7  }
.Ltmp2:
0x36: {  	_ = 	snop;
	(pc) =	sbr.rel @p0 .LBB1_5-.Ltmp2, $1  }
0x37: {  	_ =	sdelay $0x3  }
0x38: {  	s18 =	sand.u32 $0x4000, s10  }
0x39: {  	s19 =	sor.u32 $0x40, s18  }
0x3a: {  	v1 =	vmov s19;
	_ =	sdelay $0x1  }
0x3b: {  	_ =	swait.ge [sflag:s6], $0x4000  }
0x3c: {  	[sflag:s6] =	ssyncset.done $0x0  }
0x3d: {  	s20 =	simm.s32 $0x0;
	[sflag:s6] =	ssyncadd.s32 $0xFFFFC000  }
0x3e: {  	s18 =	sor.u32 $0x8070, s18;
	v7 =	vld.idx.msk [tilespmem:v1+s20+$0x30 ss:$0x1], $0xffff  }
0x3f: {  	v0 =	vmov s18;
	v8 =	vld.idx.msk [tilespmem:v1+s20+$0xFFFFFFC0 ss:$0x1], $0xffff  }
0x40: {  	v6 =	vld.idx.msk [tilespmem:v1+s20+$0xFFFFFFD0 ss:$0x1], $0xffff  }
0x41: {  	v4 =	vld.idx.msk [tilespmem:v1+s20+$0xFFFFFFE0 ss:$0x1], $0xffff  }
0x42: {  	v2 =	vld.idx.msk [tilespmem:v1+s20+$0xFFFFFFF0 ss:$0x1], $0xffff  }
0x43: {  	s31 =	sshll.u32 s14, $0xE;
	v3 =	vld.idx.msk [tilespmem:v1+s20+$0x0 ss:$0x1], $0xffff  }
0x44: {  	s18 =	sand.u32 $0x4000, s31;
	v5 =	vld.idx.msk [tilespmem:v1+s20+$0x10 ss:$0x1], $0xffff;
	[tilespmem:v0+s20+$0x0 ss:$0x1] =	vst.idx.msk $0xffff, v7  }
0x45: {  	s21 =	simm.s32 $0x400;
	s19 =	simm.s32 $0x80;
	s18 =	sor.u32 $0x8000, s18;
	[tilespmem:v0+s20+$0xFFFFFF90 ss:$0x1] =	vst.idx.msk $0xffff, v8;
	v7 =	vld.idx.msk [tilespmem:v1+s20+$0x20 ss:$0x1], $0xffff  }
.LBB1_3:
0x46: {  	p0 =	sne.s32 s21, $0xFE00;
	v8 =	vld.idx.msk [tilespmem:v1+s19+$0x30 ss:$0x1], $0xffff;
	[tilespmem:v0+s20+$0xFFFFFFA0 ss:$0x1] =	vst.idx.msk $0xffff, v6  }
0x47: {  	v9 =	vld.idx.msk [tilespmem:v1+s19+$0xFFFFFFC0 ss:$0x1], $0xffff;
	[tilespmem:v0+s20+$0xFFFFFFB0 ss:$0x1] =	vst.idx.msk $0xffff, v4  }
0x48: {  	v6 =	vld.idx.msk [tilespmem:v1+s19+$0xFFFFFFD0 ss:$0x1], $0xffff;
	[tilespmem:v0+s20+$0xFFFFFFC0 ss:$0x1] =	vst.idx.msk $0xffff, v2  }
.Ltmp3:
0x49: {  	v4 =	vld.idx.msk [tilespmem:v1+s19+$0xFFFFFFE0 ss:$0x1], $0xffff;
	[tilespmem:v0+s20+$0xFFFFFFD0 ss:$0x1] =	vst.idx.msk $0xffff, v3;
	(pc) =	sbr.rel @p0 .LBB1_3-.Ltmp3, $4  }
0x4a: {  	v2 =	vld.idx.msk [tilespmem:v1+s19+$0xFFFFFFF0 ss:$0x1], $0xffff;
	[tilespmem:v0+s20+$0xFFFFFFE0 ss:$0x1] =	vst.idx.msk $0xffff, v5  }
0x4b: {  	v3 =	vld.idx.msk [tilespmem:v1+s19+$0x0 ss:$0x1], $0xffff;
	[tilespmem:v0+s20+$0xFFFFFFF0 ss:$0x1] =	vst.idx.msk $0xffff, v7;
	s20 =	smov.u32 s19  }
0x4c: {  	v5 =	vld.idx.msk [tilespmem:v1+s20+$0x10 ss:$0x1], $0xffff;
	[tilespmem:v0+s20+$0x0 ss:$0x1] =	vst.idx.msk $0xffff, v8  }
0x4d: {  	s19 =	sshra.s32 s21, $0x2;
	s21 =	sadd.s32 $0x200, s21;
	[tilespmem:v0+s20+$0xFFFFFF90 ss:$0x1] =	vst.idx.msk $0xffff, v9;
	v7 =	vld.idx.msk [tilespmem:v1+s20+$0x20 ss:$0x1], $0xffff  }
.Ltmp4:
0x4e: {  	_ = 	snop;
	(pc) =	sbr.rel .LBB1_4-.Ltmp4, $1  }
0x4f: {  	_ =	sdelay $0x3  }
.LBB1_6:
0x50: {  	_ =	sfence.sel $0x180000  }
0x51: {  	s1 =	simm.s32 $0x1;
	[bflag:$0x0] =	sbarrier.arrive $0xFFFF  }
0x52: {  	s31 =	simm.s32 $0x2;
	[sflag:s1] =	ssyncpa.u1 $0x1  }
0x53: {  	[sflag:s31] =	ssyncpa.u1 $0x1  }
0x54: {  	p0 =	sne.s32 s0, $0x0;
	_ =	strace $0x90000047  }
0x55: {  	s0 =	sadd.s32 @!p0 $0x100000, s3;
	[bflag:$0x2] =	sbarrier.arrive $0xFFFF  }
0x56: {  	[sflag:s0] =	ssyncadd.tile.s32 @!p0 $0x1;
	_ =	shalt  }
.Lfunc_end1:
_tile_overlayer_lowered:
.L_overlay_start_2:
0x57: {  	(tag) =	ssettag $0x2  }
0x58: {  	s0 =	rddreg [dreg:$0x0];
	s2 =	stileid.u32  }
0x59: {  	s1 =	rddreg [dreg:$0x1];
	p0 =	sne.s32 s2, $0x0  }
0x5a: {  	s3 =	rddreg [dreg:$0x2];
	[bflag:$0x3] =	sbarrier.arrive $0xFFFF;
	s2 =	simm.s32 @!p0 $0x1C01  }
0x5b: {  	[timem:s3], [sflag:s2] =	dma.local @!p0 [hbm:s0], s1  }
0x5c: {  	s0 =	simm.s32 @!p0 $0x1  }
0x5d: {  	_ =	swait.ge @!p0 [sflag:s0], s1  }
0x5e: {  	s1 =	ssub.s32 @!p0 $0x0, s1;
	[sflag:s0] =	ssyncset.done @!p0 $0x0  }
0x5f: {  	[sflag:s0] =	ssyncadd.s32 @!p0 s1  }
0x60: {  	[bflag:$0x3] =	sbarrier.arrive $0xFFFF  }
0x61: {  	_ =	shalt  }

</sc_bundles>
